<compile_context>
chip_gen: v7x
topology: tpu7x:2x2x1
jax: 0.10.2.dev20260603
libtpu: 0.0.44.dev20260713+nightly
codegen_flags: <defaults>
</compile_context>

<pallas_src>
import functools

import jax
import jax.numpy as jnp
from jax import lax
from jax.experimental import pallas as pl
from jax.experimental.pallas import tpu as pltpu
from jax.experimental.pallas import tpu_sc as plsc

_SC_INFO = plsc.get_sparse_core_info()
_NUM_CORES = _SC_INFO.num_cores
_NUM_SUBCORES = _SC_INFO.num_subcores
_LANES = _SC_INFO.num_lanes


def _window_sum_sc(rel_table, seq_len):
    n_rows, embed = rel_table.shape
    rows_per_w = 8
    n_active = seq_len // rows_per_w
    buf_rows = rows_per_w + seq_len

    mesh = plsc.VectorSubcoreMesh(core_axis_name="c", subcore_axis_name="s")

    @functools.partial(
        pl.kernel,
        mesh=mesh,
        out_type=jax.ShapeDtypeStruct((seq_len, embed), jnp.float32),
        scratch_types=[
            pltpu.VMEM((buf_rows, embed), jnp.float32),
            pltpu.VMEM((rows_per_w, embed), jnp.float32),
        ],
    )
    def sc_kernel(rel_hbm, out_hbm, buf_v, out_v):
        wid = lax.axis_index("s") * _NUM_CORES + lax.axis_index("c")

        @pl.when(wid < n_active)
        def _():
            base = wid * rows_per_w
            pltpu.sync_copy(rel_hbm.at[pl.ds(base, buf_rows)], buf_v)
            n_groups = embed // _LANES
            groups = [pl.ds(c * _LANES, _LANES) for c in range(n_groups)]

            def first_window(k, accs):
                return tuple(accs[c] + buf_v[k, groups[c]] for c in range(n_groups))

            accs = lax.fori_loop(
                0,
                seq_len,
                first_window,
                tuple(jnp.zeros((_LANES,), jnp.float32) for _ in range(n_groups)),
            )
            for c in range(n_groups):
                out_v[0, groups[c]] = accs[c]
            for r in range(1, rows_per_w):
                accs = tuple(
                    accs[c] - buf_v[r - 1, groups[c]] + buf_v[r + seq_len - 1, groups[c]]
                    for c in range(n_groups)
                )
                for c in range(n_groups):
                    out_v[r, groups[c]] = accs[c]
            pltpu.sync_copy(out_v, out_hbm.at[pl.ds(base, rows_per_w)])

    return sc_kernel(rel_table)


def _tc_body(cur_ref, x_ref, rel_sum_ref, temp_ref, o_ref, *, s_blk):
    i = pl.program_id(0)
    s0 = i * s_blk

    batch = x_ref.shape[1]
    cur = cur_ref[0, :][None, :, None]
    s_ids = lax.broadcasted_iota(jnp.int32, (s_blk, batch, 1), 0) + s0
    t0 = temp_ref[0, :][None, None, :]
    t1 = temp_ref[1, :][None, None, :]
    t2 = temp_ref[2, :][None, None, :]
    temporal = jnp.where(s_ids < cur, t0, jnp.where(s_ids == cur, t1, t2))

    o_ref[...] = x_ref[...] + temporal + rel_sum_ref[0][:, None, :]


def kernel(x, current_frame_idx, rel_table, temp_table):
    seq_len, batch, embed = x.shape

    s_blk = 10
    grid = seq_len // s_blk
    rel_sum = _window_sum_sc(rel_table, seq_len).reshape(grid, s_blk, embed)
    cur2 = current_frame_idx.astype(jnp.int32).reshape(1, batch)

    return pl.pallas_call(
        functools.partial(_tc_body, s_blk=s_blk),
        grid=(grid,),
        in_specs=[
            pl.BlockSpec((1, batch), lambda i: (0, 0)),
            pl.BlockSpec((s_blk, batch, embed), lambda i: (i, 0, 0)),
            pl.BlockSpec((1, s_blk, embed), lambda i: (i, 0, 0)),
            pl.BlockSpec((3, embed), lambda i: (0, 0)),
        ],
        out_specs=pl.BlockSpec((s_blk, batch, embed), lambda i: (i, 0, 0)),
        out_shape=jax.ShapeDtypeStruct((seq_len, batch, embed), x.dtype),
    )(cur2, x, rel_sum, temp_table)

# --- scband reference (transcript-rebuilt; emitter-appended) ---
"""Pipeline reference for scband-positional-encoding-46394236731980 (READ-ONLY COPY).

The authoritative reference and input builder live on the scoring server;
editing this copy changes nothing except your own understanding.
"""

import jax, jax.numpy as jnp
import numpy as np

EMBED_DIM = 128
MAX_LEN = 200
SEQ_LEN = 200
BATCH = 1024


def setup_inputs(seed: int = 0) -> dict:
    key = jax.random.key(seed)
    k1, k2, k3, k4 = jax.random.split(key, 4)
    x = jax.random.normal(k1, (SEQ_LEN, BATCH, EMBED_DIM), dtype=jnp.float32)
    current_frame_idx = jax.random.randint(k2, (BATCH,), 0, SEQ_LEN, dtype=jnp.int64 if jax.config.jax_enable_x64 else jnp.int32)
    rel_table = jax.random.normal(k3, (2 * MAX_LEN + 1, EMBED_DIM), dtype=jnp.float32)
    temp_table = jax.random.normal(k4, (3, EMBED_DIM), dtype=jnp.float32)
    return {"x": x, "current_frame_idx": current_frame_idx, "rel_table": rel_table, "temp_table": temp_table}


def reference(x, current_frame_idx, rel_table, temp_table):
    seq_len, batch_size, embed_dim = x.shape
    max_len = (rel_table.shape[0] - 1) // 2
    # Precomputed relative positions buffer (constant, integer)
    positions = jnp.arange(max_len)
    relative_positions = positions[:, None] - positions[None, :] + (max_len - 1)
    rp = relative_positions[:seq_len, :seq_len]
    # Gather relative position embeddings: [seq_len, seq_len, embed_dim]
    rel_enc = jnp.take(rel_table, rp, axis=0)
    # Original torch code expands over batch then sums over dim=2;
    # mathematically identical to summing over axis=1 then broadcasting over batch.
    rel_enc_sum = rel_enc.sum(axis=1)  # [seq_len, embed_dim]
    rel_enc_b = jnp.broadcast_to(rel_enc_sum[:, None, :], (seq_len, batch_size, embed_dim))
    # Temporal indices: 0=past, 1=current, 2=future
    frame_index_matrix = jnp.arange(seq_len)[:, None]  # [seq_len, 1]
    cur = current_frame_idx[None, :]  # [1, batch]
    temporal_indices = jnp.where(frame_index_matrix < cur, 0,
                                 jnp.where(frame_index_matrix == cur, 1, 2))  # [seq_len, batch]
    temporal_encoding = jnp.take(temp_table, temporal_indices, axis=0)  # [seq_len, batch, embed_dim]
    out = x + temporal_encoding + rel_enc_b
    return out

if __name__ == "__main__":
    import jax
    _d = setup_inputs()
    print(jax.jit(kernel)(*tuple(_d.values())))

</pallas_src>

<mosaic_0001>
#map = affine_map<(d0, d1) -> (0, 0)>
module attributes {stable_mosaic.version = 14 : i64} {
  func.func @sc_kernel(%arg0: i32, %arg1: i32, %arg2: memref<401x128xf32, #tpu.memory_space<hbm>>, %arg3: memref<200x128xf32, #tpu.memory_space<hbm>>, %arg4: memref<208x128xf32, #tpu.memory_space<vmem>>, %arg5: memref<8x128xf32, #tpu.memory_space<vmem>>) attributes {dimension_semantics = [#tpu.dimension_semantics<core_parallel>, #tpu.dimension_semantics<subcore_parallel>], iteration_bounds = array<i64: 2, 16>, scalar_prefetch = 0 : i64, scratch_operands = 2 : i64, tpu.core_type = #tpu.core_type<sc_vector_subcore>, window_params = [{transform_indices = #map}, {transform_indices = #map}]} {
    %mul3A = arith.constant 2 : i32
    %mul3A_0 = arith.muli %arg1, %mul3A : i32
    %add3A = arith.addi %mul3A_0, %arg0 : i32
    %lt3A = arith.constant 25 : i32
    %lt3A_1 = arith.cmpi slt, %add3A, %lt3A : i32
    %convert_element_type3A = arith.extui %lt3A_1 : i1 to i32
    %cond3A = arith.constant 0 : i32
    %cond3A_2 = arith.cmpi ne, %convert_element_type3A, %cond3A : i32
    scf.if %cond3A_2 {
      %mul3A_3 = arith.constant 8 : i32
      %mul3A_4 = arith.muli %add3A, %mul3A_3 : i32
      "tpu.region"() ({
        %run_scoped3A = tpu.sem_alloc : memref<!tpu.dma_semaphore, #tpu.memory_space<semaphore_mem>>
        %dma_start3A = arith.constant 0 : i32
        %dma_start3A_1078 = tpu.memref_slice %arg2[%mul3A_4, %dma_start3A] : memref<401x128xf32, #tpu.memory_space<hbm>> -> memref<208x128xf32, #tpu.memory_space<hbm>>
        %dma_start3A_1079 = arith.constant 0 : i32
        %dma_start3A_1080 = tpu.memref_slice %arg2[%mul3A_4, %dma_start3A_1079] : memref<401x128xf32, #tpu.memory_space<hbm>> -> memref<208x128xf32, #tpu.memory_space<hbm>>
        tpu.enqueue_dma source(%dma_start3A_1080 : memref<208x128xf32, #tpu.memory_space<hbm>>) target(%arg4 : memref<208x128xf32, #tpu.memory_space<vmem>>) target_semaphore(%run_scoped3A : memref<!tpu.dma_semaphore, #tpu.memory_space<semaphore_mem>>)
        %dma_wait3A = arith.constant 0 : i32
        %dma_wait3A_1081 = tpu.memref_slice %arg2[%mul3A_4, %dma_wait3A] : memref<401x128xf32, #tpu.memory_space<hbm>> -> memref<208x128xf32, #tpu.memory_space<hbm>>
        %dma_wait3A_1082 = arith.constant 0 : i32
        %dma_wait3A_1083 = tpu.memref_slice %arg2[%mul3A_4, %dma_wait3A_1082] : memref<401x128xf32, #tpu.memory_space<hbm>> -> memref<208x128xf32, #tpu.memory_space<hbm>>
        tpu.wait_dma2 semaphore(%run_scoped3A : memref<!tpu.dma_semaphore, #tpu.memory_space<semaphore_mem>>) src(%dma_wait3A_1083 : memref<208x128xf32, #tpu.memory_space<hbm>>) dst(%arg4 : memref<208x128xf32, #tpu.memory_space<vmem>>)
        tpu.yield
      }) : () -> ()
      %broadcast_in_dim3A = arith.constant 0.000000e+00 : f32
      %broadcast_in_dim3A_5 = vector.broadcast %broadcast_in_dim3A : f32 to vector<16xf32>
      %broadcast_in_dim3A_6 = arith.constant 0.000000e+00 : f32
      %broadcast_in_dim3A_7 = vector.broadcast %broadcast_in_dim3A_6 : f32 to vector<16xf32>
      %broadcast_in_dim3A_8 = arith.constant 0.000000e+00 : f32
      %broadcast_in_dim3A_9 = vector.broadcast %broadcast_in_dim3A_8 : f32 to vector<16xf32>
      %broadcast_in_dim3A_10 = arith.constant 0.000000e+00 : f32
      %broadcast_in_dim3A_11 = vector.broadcast %broadcast_in_dim3A_10 : f32 to vector<16xf32>
      %broadcast_in_dim3A_12 = arith.constant 0.000000e+00 : f32
      %broadcast_in_dim3A_13 = vector.broadcast %broadcast_in_dim3A_12 : f32 to vector<16xf32>
      %broadcast_in_dim3A_14 = arith.constant 0.000000e+00 : f32
      %broadcast_in_dim3A_15 = vector.broadcast %broadcast_in_dim3A_14 : f32 to vector<16xf32>
      %broadcast_in_dim3A_16 = arith.constant 0.000000e+00 : f32
      %broadcast_in_dim3A_17 = vector.broadcast %broadcast_in_dim3A_16 : f32 to vector<16xf32>
      %broadcast_in_dim3A_18 = arith.constant 0.000000e+00 : f32
      %broadcast_in_dim3A_19 = vector.broadcast %broadcast_in_dim3A_18 : f32 to vector<16xf32>
      %scan3A = arith.constant 0 : i32
      %scan3A_20 = arith.constant 200 : i32
      %scan3A_21 = arith.addi %scan3A, %scan3A_20 : i32
      %scan3A_22 = arith.constant 1 : i32
      %scan3A_23:8 = scf.for %scan3A_1078 = %scan3A to %scan3A_21 step %scan3A_22 iter_args(%scan3A_1079 = %broadcast_in_dim3A_5, %scan3A_1080 = %broadcast_in_dim3A_7, %scan3A_1081 = %broadcast_in_dim3A_9, %scan3A_1082 = %broadcast_in_dim3A_11, %scan3A_1083 = %broadcast_in_dim3A_13, %scan3A_1084 = %broadcast_in_dim3A_15, %scan3A_1085 = %broadcast_in_dim3A_17, %scan3A_1086 = %broadcast_in_dim3A_19) -> (vector<16xf32>, vector<16xf32>, vector<16xf32>, vector<16xf32>, vector<16xf32>, vector<16xf32>, vector<16xf32>, vector<16xf32>)  : i32 {
        %get3A_1087 = arith.index_cast %scan3A_1078 : i32 to index
        %get3A_1088 = arith.constant 0 : index
        %get3A_1089 = tpu.vector_load %arg4[%get3A_1087, %get3A_1088] {strides = array<i32>} : memref<208x128xf32, #tpu.memory_space<vmem>>, vector<1x16xf32>,
        %get3A_1090 = vector.shape_cast %get3A_1089 : vector<1x16xf32> to vector<16xf32>
        %add3A_1091 = arith.addf %scan3A_1079, %get3A_1090 : vector<16xf32>
        %get3A_1092 = arith.index_cast %scan3A_1078 : i32 to index
        %get3A_1093 = arith.constant 16 : index
        %get3A_1094 = tpu.vector_load %arg4[%get3A_1092, %get3A_1093] {strides = array<i32>} : memref<208x128xf32, #tpu.memory_space<vmem>>, vector<1x16xf32>,
        %get3A_1095 = vector.shape_cast %get3A_1094 : vector<1x16xf32> to vector<16xf32>
        %add3A_1096 = arith.addf %scan3A_1080, %get3A_1095 : vector<16xf32>
        %get3A_1097 = arith.index_cast %scan3A_1078 : i32 to index
        %get3A_1098 = arith.constant 32 : index
        %get3A_1099 = tpu.vector_load %arg4[%get3A_1097, %get3A_1098] {strides = array<i32>} : memref<208x128xf32, #tpu.memory_space<vmem>>, vector<1x16xf32>,
        %get3A_1100 = vector.shape_cast %get3A_1099 : vector<1x16xf32> to vector<16xf32>
        %add3A_1101 = arith.addf %scan3A_1081, %get3A_1100 : vector<16xf32>
        %get3A_1102 = arith.index_cast %scan3A_1078 : i32 to index
        %get3A_1103 = arith.constant 48 : index
        %get3A_1104 = tpu.vector_load %arg4[%get3A_1102, %get3A_1103] {strides = array<i32>} : memref<208x128xf32, #tpu.memory_space<vmem>>, vector<1x16xf32>,
        %get3A_1105 = vector.shape_cast %get3A_1104 : vector<1x16xf32> to vector<16xf32>
        %add3A_1106 = arith.addf %scan3A_1082, %get3A_1105 : vector<16xf32>
        %get3A_1107 = arith.index_cast %scan3A_1078 : i32 to index
        %get3A_1108 = arith.constant 64 : index
        %get3A_1109 = tpu.vector_load %arg4[%get3A_1107, %get3A_1108] {strides = array<i32>} : memref<208x128xf32, #tpu.memory_space<vmem>>, vector<1x16xf32>,
        %get3A_1110 = vector.shape_cast %get3A_1109 : vector<1x16xf32> to vector<16xf32>
        %add3A_1111 = arith.addf %scan3A_1083, %get3A_1110 : vector<16xf32>
        %get3A_1112 = arith.index_cast %scan3A_1078 : i32 to index
        %get3A_1113 = arith.constant 80 : index
        %get3A_1114 = tpu.vector_load %arg4[%get3A_1112, %get3A_1113] {strides = array<i32>} : memref<208x128xf32, #tpu.memory_space<vmem>>, vector<1x16xf32>,
        %get3A_1115 = vector.shape_cast %get3A_1114 : vector<1x16xf32> to vector<16xf32>
        %add3A_1116 = arith.addf %scan3A_1084, %get3A_1115 : vector<16xf32>
        %get3A_1117 = arith.index_cast %scan3A_1078 : i32 to index
        %get3A_1118 = arith.constant 96 : index
        %get3A_1119 = tpu.vector_load %arg4[%get3A_1117, %get3A_1118] {strides = array<i32>} : memref<208x128xf32, #tpu.memory_space<vmem>>, vector<1x16xf32>,
        %get3A_1120 = vector.shape_cast %get3A_1119 : vector<1x16xf32> to vector<16xf32>
        %add3A_1121 = arith.addf %scan3A_1085, %get3A_1120 : vector<16xf32>
        %get3A_1122 = arith.index_cast %scan3A_1078 : i32 to index
        %get3A_1123 = arith.constant 112 : index
        %get3A_1124 = tpu.vector_load %arg4[%get3A_1122, %get3A_1123] {strides = array<i32>} : memref<208x128xf32, #tpu.memory_space<vmem>>, vector<1x16xf32>,
        %get3A_1125 = vector.shape_cast %get3A_1124 : vector<1x16xf32> to vector<16xf32>
        %add3A_1126 = arith.addf %scan3A_1086, %get3A_1125 : vector<16xf32>
        scf.yield %add3A_1091, %add3A_1096, %add3A_1101, %add3A_1106, %add3A_1111, %add3A_1116, %add3A_1121, %add3A_1126 : vector<16xf32>, vector<16xf32>, vector<16xf32>, vector<16xf32>, vector<16xf32>, vector<16xf32>, vector<16xf32>, vector<16xf32>
      }
      %scan3A_24 = arith.constant 200 : i32
      %swap3A = arith.constant 0 : i32
      %swap3A_25 = arith.index_cast %swap3A : i32 to index
      %swap3A_26 = arith.constant 0 : index
      %swap3A_27 = tpu.vector_load %arg5[%swap3A_25, %swap3A_26] {strides = array<i32>} : memref<8x128xf32, #tpu.memory_space<vmem>>, vector<1x16xf32>,
      %swap3A_28 = vector.shape_cast %swap3A_27 : vector<1x16xf32> to vector<16xf32>
      %swap3A_29 = vector.shape_cast %scan3A_23#0 : vector<16xf32> to vector<1x16xf32>
      tpu.vector_store %arg5[%swap3A_25, %swap3A_26], %swap3A_29 {strides = array<i32>} : memref<8x128xf32, #tpu.memory_space<vmem>>, vector<1x16xf32>,
      %swap3A_30 = arith.constant 0 : i32
      %swap3A_31 = arith.index_cast %swap3A_30 : i32 to index
      %swap3A_32 = arith.constant 16 : index
      %swap3A_33 = tpu.vector_load %arg5[%swap3A_31, %swap3A_32] {strides = array<i32>} : memref<8x128xf32, #tpu.memory_space<vmem>>, vector<1x16xf32>,
      %swap3A_34 = vector.shape_cast %swap3A_33 : vector<1x16xf32> to vector<16xf32>
      %swap3A_35 = vector.shape_cast %scan3A_23#1 : vector<16xf32> to vector<1x16xf32>
      tpu.vector_store %arg5[%swap3A_31, %swap3A_32], %swap3A_35 {strides = array<i32>} : memref<8x128xf32, #tpu.memory_space<vmem>>, vector<1x16xf32>,
      %swap3A_36 = arith.constant 0 : i32
      %swap3A_37 = arith.index_cast %swap3A_36 : i32 to index
      %swap3A_38 = arith.constant 32 : index
      %swap3A_39 = tpu.vector_load %arg5[%swap3A_37, %swap3A_38] {strides = array<i32>} : memref<8x128xf32, #tpu.memory_space<vmem>>, vector<1x16xf32>,
      %swap3A_40 = vector.shape_cast %swap3A_39 : vector<1x16xf32> to vector<16xf32>
      %swap3A_41 = vector.shape_cast %scan3A_23#2 : vector<16xf32> to vector<1x16xf32>
      tpu.vector_store %arg5[%swap3A_37, %swap3A_38], %swap3A_41 {strides = array<i32>} : memref<8x128xf32, #tpu.memory_space<vmem>>, vector<1x16xf32>,
      %swap3A_42 = arith.constant 0 : i32
      %swap3A_43 = arith.index_cast %swap3A_42 : i32 to index
      %swap3A_44 = arith.constant 48 : index
      %swap3A_45 = tpu.vector_load %arg5[%swap3A_43, %swap3A_44] {strides = array<i32>} : memref<8x128xf32, #tpu.memory_space<vmem>>, vector<1x16xf32>,
      %swap3A_46 = vector.shape_cast %swap3A_45 : vector<1x16xf32> to vector<16xf32>
      %swap3A_47 = vector.shape_cast %scan3A_23#3 : vector<16xf32> to vector<1x16xf32>
      tpu.vector_store %arg5[%swap3A_43, %swap3A_44], %swap3A_47 {strides = array<i32>} : memref<8x128xf32, #tpu.memory_space<vmem>>, vector<1x16xf32>,
      %swap3A_48 = arith.constant 0 : i32
      %swap3A_49 = arith.index_cast %swap3A_48 : i32 to index
      %swap3A_50 = arith.constant 64 : index
      %swap3A_51 = tpu.vector_load %arg5[%swap3A_49, %swap3A_50] {strides = array<i32>} : memref<8x128xf32, #tpu.memory_space<vmem>>, vector<1x16xf32>,
      %swap3A_52 = vector.shape_cast %swap3A_51 : vector<1x16xf32> to vector<16xf32>
      %swap3A_53 = vector.shape_cast %scan3A_23#4 : vector<16xf32> to vector<1x16xf32>
      tpu.vector_store %arg5[%swap3A_49, %swap3A_50], %swap3A_53 {strides = array<i32>} : memref<8x128xf32, #tpu.memory_space<vmem>>, vector<1x16xf32>,
      %swap3A_54 = arith.constant 0 : i32
      %swap3A_55 = arith.index_cast %swap3A_54 : i32 to index
      %swap3A_56 = arith.constant 80 : index
      %swap3A_57 = tpu.vector_load %arg5[%swap3A_55, %swap3A_56] {strides = array<i32>} : memref<8x128xf32, #tpu.memory_space<vmem>>, vector<1x16xf32>,
      %swap3A_58 = vector.shape_cast %swap3A_57 : vector<1x16xf32> to vector<16xf32>
      %swap3A_59 = vector.shape_cast %scan3A_23#5 : vector<16xf32> to vector<1x16xf32>
      tpu.vector_store %arg5[%swap3A_55, %swap3A_56], %swap3A_59 {strides = array<i32>} : memref<8x128xf32, #tpu.memory_space<vmem>>, vector<1x16xf32>,
      %swap3A_60 = arith.constant 0 : i32
      %swap3A_61 = arith.index_cast %swap3A_60 : i32 to index
      %swap3A_62 = arith.constant 96 : index
      %swap3A_63 = tpu.vector_load %arg5[%swap3A_61, %swap3A_62] {strides = array<i32>} : memref<8x128xf32, #tpu.memory_space<vmem>>, vector<1x16xf32>,
      %swap3A_64 = vector.shape_cast %swap3A_63 : vector<1x16xf32> to vector<16xf32>
      %swap3A_65 = vector.shape_cast %scan3A_23#6 : vector<16xf32> to vector<1x16xf32>
      tpu.vector_store %arg5[%swap3A_61, %swap3A_62], %swap3A_65 {strides = array<i32>} : memref<8x128xf32, #tpu.memory_space<vmem>>, vector<1x16xf32>,
      %swap3A_66 = arith.constant 0 : i32
      %swap3A_67 = arith.index_cast %swap3A_66 : i32 to index
      %swap3A_68 = arith.constant 112 : index
      %swap3A_69 = tpu.vector_load %arg5[%swap3A_67, %swap3A_68] {strides = array<i32>} : memref<8x128xf32, #tpu.memory_space<vmem>>, vector<1x16xf32>,
      %swap3A_70 = vector.shape_cast %swap3A_69 : vector<1x16xf32> to vector<16xf32>
      %swap3A_71 = vector.shape_cast %scan3A_23#7 : vector<16xf32> to vector<1x16xf32>
      tpu.vector_store %arg5[%swap3A_67, %swap3A_68], %swap3A_71 {strides = array<i32>} : memref<8x128xf32, #tpu.memory_space<vmem>>, vector<1x16xf32>,
      %get3A = arith.constant 0 : i32
      %get3A_72 = arith.index_cast %get3A : i32 to index
      %get3A_73 = arith.constant 0 : index
      %get3A_74 = tpu.vector_load %arg4[%get3A_72, %get3A_73] {strides = array<i32>} : memref<208x128xf32, #tpu.memory_space<vmem>>, vector<1x16xf32>,
      %get3A_75 = vector.shape_cast %get3A_74 : vector<1x16xf32> to vector<16xf32>
      %sub3A = arith.subf %scan3A_23#0, %get3A_75 : vector<16xf32>
      %get3A_76 = arith.constant 200 : i32
      %get3A_77 = arith.index_cast %get3A_76 : i32 to index
      %get3A_78 = arith.constant 0 : index
      %get3A_79 = tpu.vector_load %arg4[%get3A_77, %get3A_78] {strides = array<i32>} : memref<208x128xf32, #tpu.memory_space<vmem>>, vector<1x16xf32>,
      %get3A_80 = vector.shape_cast %get3A_79 : vector<1x16xf32> to vector<16xf32>
      %add3A_81 = arith.addf %sub3A, %get3A_80 : vector<16xf32>
      %get3A_82 = arith.constant 0 : i32
      %get3A_83 = arith.index_cast %get3A_82 : i32 to index
      %get3A_84 = arith.constant 16 : index
      %get3A_85 = tpu.vector_load %arg4[%get3A_83, %get3A_84] {strides = array<i32>} : memref<208x128xf32, #tpu.memory_space<vmem>>, vector<1x16xf32>,
      %get3A_86 = vector.shape_cast %get3A_85 : vector<1x16xf32> to vector<16xf32>
      %sub3A_87 = arith.subf %scan3A_23#1, %get3A_86 : vector<16xf32>
      %get3A_88 = arith.constant 200 : i32
      %get3A_89 = arith.index_cast %get3A_88 : i32 to index
      %get3A_90 = arith.constant 16 : index
      %get3A_91 = tpu.vector_load %arg4[%get3A_89, %get3A_90] {strides = array<i32>} : memref<208x128xf32, #tpu.memory_space<vmem>>, vector<1x16xf32>,
      %get3A_92 = vector.shape_cast %get3A_91 : vector<1x16xf32> to vector<16xf32>
      %add3A_93 = arith.addf %sub3A_87, %get3A_92 : vector<16xf32>
      %get3A_94 = arith.constant 0 : i32
      %get3A_95 = arith.index_cast %get3A_94 : i32 to index
      %get3A_96 = arith.constant 32 : index
      %get3A_97 = tpu.vector_load %arg4[%get3A_95, %get3A_96] {strides = array<i32>} : memref<208x128xf32, #tpu.memory_space<vmem>>, vector<1x16xf32>,
      %get3A_98 = vector.shape_cast %get3A_97 : vector<1x16xf32> to vector<16xf32>
      %sub3A_99 = arith.subf %scan3A_23#2, %get3A_98 : vector<16xf32>
      %get3A_100 = arith.constant 200 : i32
      %get3A_101 = arith.index_cast %get3A_100 : i32 to index
      %get3A_102 = arith.constant 32 : index
      %get3A_103 = tpu.vector_load %arg4[%get3A_101, %get3A_102] {strides = array<i32>} : memref<208x128xf32, #tpu.memory_space<vmem>>, vector<1x16xf32>,
      %get3A_104 = vector.shape_cast %get3A_103 : vector<1x16xf32> to vector<16xf32>
      %add3A_105 = arith.addf %sub3A_99, %get3A_104 : vector<16xf32>
      %get3A_106 = arith.constant 0 : i32
      %get3A_107 = arith.index_cast %get3A_106 : i32 to index
      %get3A_108 = arith.constant 48 : index
      %get3A_109 = tpu.vector_load %arg4[%get3A_107, %get3A_108] {strides = array<i32>} : memref<208x128xf32, #tpu.memory_space<vmem>>, vector<1x16xf32>,
      %get3A_110 = vector.shape_cast %get3A_109 : vector<1x16xf32> to vector<16xf32>
      %sub3A_111 = arith.subf %scan3A_23#3, %get3A_110 : vector<16xf32>
      %get3A_112 = arith.constant 200 : i32
      %get3A_113 = arith.index_cast %get3A_112 : i32 to index
      %get3A_114 = arith.constant 48 : index
      %get3A_115 = tpu.vector_load %arg4[%get3A_113, %get3A_114] {strides = array<i32>} : memref<208x128xf32, #tpu.memory_space<vmem>>, vector<1x16xf32>,
      %get3A_116 = vector.shape_cast %get3A_115 : vector<1x16xf32> to vector<16xf32>
      %add3A_117 = arith.addf %sub3A_111, %get3A_116 : vector<16xf32>
      %get3A_118 = arith.constant 0 : i32
      %get3A_119 = arith.index_cast %get3A_118 : i32 to index
      %get3A_120 = arith.constant 64 : index
      %get3A_121 = tpu.vector_load %arg4[%get3A_119, %get3A_120] {strides = array<i32>} : memref<208x128xf32, #tpu.memory_space<vmem>>, vector<1x16xf32>,
      %get3A_122 = vector.shape_cast %get3A_121 : vector<1x16xf32> to vector<16xf32>
      %sub3A_123 = arith.subf %scan3A_23#4, %get3A_122 : vector<16xf32>
      %get3A_124 = arith.constant 200 : i32
      %get3A_125 = arith.index_cast %get3A_124 : i32 to index
      %get3A_126 = arith.constant 64 : index
      %get3A_127 = tpu.vector_load %arg4[%get3A_125, %get3A_126] {strides = array<i32>} : memref<208x128xf32, #tpu.memory_space<vmem>>, vector<1x16xf32>,
      %get3A_128 = vector.shape_cast %get3A_127 : vector<1x16xf32> to vector<16xf32>
      %add3A_129 = arith.addf %sub3A_123, %get3A_128 : vector<16xf32>
      %get3A_130 = arith.constant 0 : i32
      %get3A_131 = arith.index_cast %get3A_130 : i32 to index
      %get3A_132 = arith.constant 80 : index
      %get3A_133 = tpu.vector_load %arg4[%get3A_131, %get3A_132] {strides = array<i32>} : memref<208x128xf32, #tpu.memory_space<vmem>>, vector<1x16xf32>,
      %get3A_134 = vector.shape_cast %get3A_133 : vector<1x16xf32> to vector<16xf32>
      %sub3A_135 = arith.subf %scan3A_23#5, %get3A_134 : vector<16xf32>
      %get3A_136 = arith.constant 200 : i32
      %get3A_137 = arith.index_cast %get3A_136 : i32 to index
      %get3A_138 = arith.constant 80 : index
      %get3A_139 = tpu.vector_load %arg4[%get3A_137, %get3A_138] {strides = array<i32>} : memref<208x128xf32, #tpu.memory_space<vmem>>, vector<1x16xf32>,
      %get3A_140 = vector.shape_cast %get3A_139 : vector<1x16xf32> to vector<16xf32>
      %add3A_141 = arith.addf %sub3A_135, %get3A_140 : vector<16xf32>
      %get3A_142 = arith.constant 0 : i32
      %get3A_143 = arith.index_cast %get3A_142 : i32 to index
      %get3A_144 = arith.constant 96 : index
      %get3A_145 = tpu.vector_load %arg4[%get3A_143, %get3A_144] {strides = array<i32>} : memref<208x128xf32, #tpu.memory_space<vmem>>, vector<1x16xf32>,
      %get3A_146 = vector.shape_cast %get3A_145 : vector<1x16xf32> to vector<16xf32>
      %sub3A_147 = arith.subf %scan3A_23#6, %get3A_146 : vector<16xf32>
      %get3A_148 = arith.constant 200 : i32
      %get3A_149 = arith.index_cast %get3A_148 : i32 to index
      %get3A_150 = arith.constant 96 : index
      %get3A_151 = tpu.vector_load %arg4[%get3A_149, %get3A_150] {strides = array<i32>} : memref<208x128xf32, #tpu.memory_space<vmem>>, vector<1x16xf32>,
      %get3A_152 = vector.shape_cast %get3A_151 : vector<1x16xf32> to vector<16xf32>
      %add3A_153 = arith.addf %sub3A_147, %get3A_152 : vector<16xf32>
      %get3A_154 = arith.constant 0 : i32
      %get3A_155 = arith.index_cast %get3A_154 : i32 to index
      %get3A_156 = arith.constant 112 : index
      %get3A_157 = tpu.vector_load %arg4[%get3A_155, %get3A_156] {strides = array<i32>} : memref<208x128xf32, #tpu.memory_space<vmem>>, vector<1x16xf32>,
      %get3A_158 = vector.shape_cast %get3A_157 : vector<1x16xf32> to vector<16xf32>
      %sub3A_159 = arith.subf %scan3A_23#7, %get3A_158 : vector<16xf32>
      %get3A_160 = arith.constant 200 : i32
      %get3A_161 = arith.index_cast %get3A_160 : i32 to index
      %get3A_162 = arith.constant 112 : index
      %get3A_163 = tpu.vector_load %arg4[%get3A_161, %get3A_162] {strides = array<i32>} : memref<208x128xf32, #tpu.memory_space<vmem>>, vector<1x16xf32>,
      %get3A_164 = vector.shape_cast %get3A_163 : vector<1x16xf32> to vector<16xf32>
      %add3A_165 = arith.addf %sub3A_159, %get3A_164 : vector<16xf32>
      %swap3A_166 = arith.constant 1 : i32
      %swap3A_167 = arith.index_cast %swap3A_166 : i32 to index
      %swap3A_168 = arith.constant 0 : index
      %swap3A_169 = tpu.vector_load %arg5[%swap3A_167, %swap3A_168] {strides = array<i32>} : memref<8x128xf32, #tpu.memory_space<vmem>>, vector<1x16xf32>,
      %swap3A_170 = vector.shape_cast %swap3A_169 : vector<1x16xf32> to vector<16xf32>
      %swap3A_171 = vector.shape_cast %add3A_81 : vector<16xf32> to vector<1x16xf32>
      tpu.vector_store %arg5[%swap3A_167, %swap3A_168], %swap3A_171 {strides = array<i32>} : memref<8x128xf32, #tpu.memory_space<vmem>>, vector<1x16xf32>,
      %swap3A_172 = arith.constant 1 : i32
      %swap3A_173 = arith.index_cast %swap3A_172 : i32 to index
      %swap3A_174 = arith.constant 16 : index
      %swap3A_175 = tpu.vector_load %arg5[%swap3A_173, %swap3A_174] {strides = array<i32>} : memref<8x128xf32, #tpu.memory_space<vmem>>, vector<1x16xf32>,
      %swap3A_176 = vector.shape_cast %swap3A_175 : vector<1x16xf32> to vector<16xf32>
      %swap3A_177 = vector.shape_cast %add3A_93 : vector<16xf32> to vector<1x16xf32>
      tpu.vector_store %arg5[%swap3A_173, %swap3A_174], %swap3A_177 {strides = array<i32>} : memref<8x128xf32, #tpu.memory_space<vmem>>, vector<1x16xf32>,
      %swap3A_178 = arith.constant 1 : i32
      %swap3A_179 = arith.index_cast %swap3A_178 : i32 to index
      %swap3A_180 = arith.constant 32 : index
      %swap3A_181 = tpu.vector_load %arg5[%swap3A_179, %swap3A_180] {strides = array<i32>} : memref<8x128xf32, #tpu.memory_space<vmem>>, vector<1x16xf32>,
      %swap3A_182 = vector.shape_cast %swap3A_181 : vector<1x16xf32> to vector<16xf32>
      %swap3A_183 = vector.shape_cast %add3A_105 : vector<16xf32> to vector<1x16xf32>
      tpu.vector_store %arg5[%swap3A_179, %swap3A_180], %swap3A_183 {strides = array<i32>} : memref<8x128xf32, #tpu.memory_space<vmem>>, vector<1x16xf32>,
      %swap3A_184 = arith.constant 1 : i32
      %swap3A_185 = arith.index_cast %swap3A_184 : i32 to index
      %swap3A_186 = arith.constant 48 : index
      %swap3A_187 = tpu.vector_load %arg5[%swap3A_185, %swap3A_186] {strides = array<i32>} : memref<8x128xf32, #tpu.memory_space<vmem>>, vector<1x16xf32>,
      %swap3A_188 = vector.shape_cast %swap3A_187 : vector<1x16xf32> to vector<16xf32>
      %swap3A_189 = vector.shape_cast %add3A_117 : vector<16xf32> to vector<1x16xf32>
      tpu.vector_store %arg5[%swap3A_185, %swap3A_186], %swap3A_189 {strides = array<i32>} : memref<8x128xf32, #tpu.memory_space<vmem>>, vector<1x16xf32>,
      %swap3A_190 = arith.constant 1 : i32
      %swap3A_191 = arith.index_cast %swap3A_190 : i32 to index
      %swap3A_192 = arith.constant 64 : index
      %swap3A_193 = tpu.vector_load %arg5[%swap3A_191, %swap3A_192] {strides = array<i32>} : memref<8x128xf32, #tpu.memory_space<vmem>>, vector<1x16xf32>,
      %swap3A_194 = vector.shape_cast %swap3A_193 : vector<1x16xf32> to vector<16xf32>
      %swap3A_195 = vector.shape_cast %add3A_129 : vector<16xf32> to vector<1x16xf32>
      tpu.vector_store %arg5[%swap3A_191, %swap3A_192], %swap3A_195 {strides = array<i32>} : memref<8x128xf32, #tpu.memory_space<vmem>>, vector<1x16xf32>,
      %swap3A_196 = arith.constant 1 : i32
      %swap3A_197 = arith.index_cast %swap3A_196 : i32 to index
      %swap3A_198 = arith.constant 80 : index
      %swap3A_199 = tpu.vector_load %arg5[%swap3A_197, %swap3A_198] {strides = array<i32>} : memref<8x128xf32, #tpu.memory_space<vmem>>, vector<1x16xf32>,
      %swap3A_200 = vector.shape_cast %swap3A_199 : vector<1x16xf32> to vector<16xf32>
      %swap3A_201 = vector.shape_cast %add3A_141 : vector<16xf32> to vector<1x16xf32>
      tpu.vector_store %arg5[%swap3A_197, %swap3A_198], %swap3A_201 {strides = array<i32>} : memref<8x128xf32, #tpu.memory_space<vmem>>, vector<1x16xf32>,
      %swap3A_202 = arith.constant 1 : i32
      %swap3A_203 = arith.index_cast %swap3A_202 : i32 to index
      %swap3A_204 = arith.constant 96 : index
      %swap3A_205 = tpu.vector_load %arg5[%swap3A_203, %swap3A_204] {strides = array<i32>} : memref<8x128xf32, #tpu.memory_space<vmem>>, vector<1x16xf32>,
      %swap3A_206 = vector.shape_cast %swap3A_205 : vector<1x16xf32> to vector<16xf32>
      %swap3A_207 = vector.shape_cast %add3A_153 : vector<16xf32> to vector<1x16xf32>
      tpu.vector_store %arg5[%swap3A_203, %swap3A_204], %swap3A_207 {strides = array<i32>} : memref<8x128xf32, #tpu.memory_space<vmem>>, vector<1x16xf32>,
      %swap3A_208 = arith.constant 1 : i32
      %swap3A_209 = arith.index_cast %swap3A_208 : i32 to index
      %swap3A_210 = arith.constant 112 : index
      %swap3A_211 = tpu.vector_load %arg5[%swap3A_209, %swap3A_210] {strides = array<i32>} : memref<8x128xf32, #tpu.memory_space<vmem>>, vector<1x16xf32>,
      %swap3A_212 = vector.shape_cast %swap3A_211 : vector<1x16xf32> to vector<16xf32>
      %swap3A_213 = vector.shape_cast %add3A_165 : vector<16xf32> to vector<1x16xf32>
      tpu.vector_store %arg5[%swap3A_209, %swap3A_210], %swap3A_213 {strides = array<i32>} : memref<8x128xf32, #tpu.memory_space<vmem>>, vector<1x16xf32>,
      %get3A_214 = arith.constant 1 : i32
      %get3A_215 = arith.index_cast %get3A_214 : i32 to index
      %get3A_216 = arith.constant 0 : index
      %get3A_217 = tpu.vector_load %arg4[%get3A_215, %get3A_216] {strides = array<i32>} : memref<208x128xf32, #tpu.memory_space<vmem>>, vector<1x16xf32>,
      %get3A_218 = vector.shape_cast %get3A_217 : vector<1x16xf32> to vector<16xf32>
      %sub3A_219 = arith.subf %add3A_81, %get3A_218 : vector<16xf32>
      %get3A_220 = arith.constant 201 : i32
      %get3A_221 = arith.index_cast %get3A_220 : i32 to index
      %get3A_222 = arith.constant 0 : index
      %get3A_223 = tpu.vector_load %arg4[%get3A_221, %get3A_222] {strides = array<i32>} : memref<208x128xf32, #tpu.memory_space<vmem>>, vector<1x16xf32>,
      %get3A_224 = vector.shape_cast %get3A_223 : vector<1x16xf32> to vector<16xf32>
      %add3A_225 = arith.addf %sub3A_219, %get3A_224 : vector<16xf32>
      %get3A_226 = arith.constant 1 : i32
      %get3A_227 = arith.index_cast %get3A_226 : i32 to index
      %get3A_228 = arith.constant 16 : index
      %get3A_229 = tpu.vector_load %arg4[%get3A_227, %get3A_228] {strides = array<i32>} : memref<208x128xf32, #tpu.memory_space<vmem>>, vector<1x16xf32>,
      %get3A_230 = vector.shape_cast %get3A_229 : vector<1x16xf32> to vector<16xf32>
      %sub3A_231 = arith.subf %add3A_93, %get3A_230 : vector<16xf32>
      %get3A_232 = arith.constant 201 : i32
      %get3A_233 = arith.index_cast %get3A_232 : i32 to index
      %get3A_234 = arith.constant 16 : index
      %get3A_235 = tpu.vector_load %arg4[%get3A_233, %get3A_234] {strides = array<i32>} : memref<208x128xf32, #tpu.memory_space<vmem>>, vector<1x16xf32>,
      %get3A_236 = vector.shape_cast %get3A_235 : vector<1x16xf32> to vector<16xf32>
      %add3A_237 = arith.addf %sub3A_231, %get3A_236 : vector<16xf32>
      %get3A_238 = arith.constant 1 : i32
      %get3A_239 = arith.index_cast %get3A_238 : i32 to index
      %get3A_240 = arith.constant 32 : index
      %get3A_241 = tpu.vector_load %arg4[%get3A_239, %get3A_240] {strides = array<i32>} : memref<208x128xf32, #tpu.memory_space<vmem>>, vector<1x16xf32>,
      %get3A_242 = vector.shape_cast %get3A_241 : vector<1x16xf32> to vector<16xf32>
      %sub3A_243 = arith.subf %add3A_105, %get3A_242 : vector<16xf32>
      %get3A_244 = arith.constant 201 : i32
      %get3A_245 = arith.index_cast %get3A_244 : i32 to index
      %get3A_246 = arith.constant 32 : index
      %get3A_247 = tpu.vector_load %arg4[%get3A_245, %get3A_246] {strides = array<i32>} : memref<208x128xf32, #tpu.memory_space<vmem>>, vector<1x16xf32>,
      %get3A_248 = vector.shape_cast %get3A_247 : vector<1x16xf32> to vector<16xf32>
      %add3A_249 = arith.addf %sub3A_243, %get3A_248 : vector<16xf32>
      %get3A_250 = arith.constant 1 : i32
      %get3A_251 = arith.index_cast %get3A_250 : i32 to index
      %get3A_252 = arith.constant 48 : index
      %get3A_253 = tpu.vector_load %arg4[%get3A_251, %get3A_252] {strides = array<i32>} : memref<208x128xf32, #tpu.memory_space<vmem>>, vector<1x16xf32>,
      %get3A_254 = vector.shape_cast %get3A_253 : vector<1x16xf32> to vector<16xf32>
      %sub3A_255 = arith.subf %add3A_117, %get3A_254 : vector<16xf32>
      %get3A_256 = arith.constant 201 : i32
      %get3A_257 = arith.index_cast %get3A_256 : i32 to index
      %get3A_258 = arith.constant 48 : index
      %get3A_259 = tpu.vector_load %arg4[%get3A_257, %get3A_258] {strides = array<i32>} : memref<208x128xf32, #tpu.memory_space<vmem>>, vector<1x16xf32>,
      %get3A_260 = vector.shape_cast %get3A_259 : vector<1x16xf32> to vector<16xf32>
      %add3A_261 = arith.addf %sub3A_255, %get3A_260 : vector<16xf32>
      %get3A_262 = arith.constant 1 : i32
      %get3A_263 = arith.index_cast %get3A_262 : i32 to index
      %get3A_264 = arith.constant 64 : index
      %get3A_265 = tpu.vector_load %arg4[%get3A_263, %get3A_264] {strides = array<i32>} : memref<208x128xf32, #tpu.memory_space<vmem>>, vector<1x16xf32>,
      %get3A_266 = vector.shape_cast %get3A_265 : vector<1x16xf32> to vector<16xf32>
      %sub3A_267 = arith.subf %add3A_129, %get3A_266 : vector<16xf32>
      %get3A_268 = arith.constant 201 : i32
      %get3A_269 = arith.index_cast %get3A_268 : i32 to index
      %get3A_270 = arith.constant 64 : index
      %get3A_271 = tpu.vector_load %arg4[%get3A_269, %get3A_270] {strides = array<i32>} : memref<208x128xf32, #tpu.memory_space<vmem>>, vector<1x16xf32>,
      %get3A_272 = vector.shape_cast %get3A_271 : vector<1x16xf32> to vector<16xf32>
      %add3A_273 = arith.addf %sub3A_267, %get3A_272 : vector<16xf32>
      %get3A_274 = arith.constant 1 : i32
      %get3A_275 = arith.index_cast %get3A_274 : i32 to index
      %get3A_276 = arith.constant 80 : index
      %get3A_277 = tpu.vector_load %arg4[%get3A_275, %get3A_276] {strides = array<i32>} : memref<208x128xf32, #tpu.memory_space<vmem>>, vector<1x16xf32>,
      %get3A_278 = vector.shape_cast %get3A_277 : vector<1x16xf32> to vector<16xf32>
      %sub3A_279 = arith.subf %add3A_141, %get3A_278 : vector<16xf32>
      %get3A_280 = arith.constant 201 : i32
      %get3A_281 = arith.index_cast %get3A_280 : i32 to index
      %get3A_282 = arith.constant 80 : index
      %get3A_283 = tpu.vector_load %arg4[%get3A_281, %get3A_282] {strides = array<i32>} : memref<208x128xf32, #tpu.memory_space<vmem>>, vector<1x16xf32>,
      %get3A_284 = vector.shape_cast %get3A_283 : vector<1x16xf32> to vector<16xf32>
      %add3A_285 = arith.addf %sub3A_279, %get3A_284 : vector<16xf32>
      %get3A_286 = arith.constant 1 : i32
      %get3A_287 = arith.index_cast %get3A_286 : i32 to index
      %get3A_288 = arith.constant 96 : index
      %get3A_289 = tpu.vector_load %arg4[%get3A_287, %get3A_288] {strides = array<i32>} : memref<208x128xf32, #tpu.memory_space<vmem>>, vector<1x16xf32>,
      %get3A_290 = vector.shape_cast %get3A_289 : vector<1x16xf32> to vector<16xf32>
      %sub3A_291 = arith.subf %add3A_153, %get3A_290 : vector<16xf32>
      %get3A_292 = arith.constant 201 : i32
      %get3A_293 = arith.index_cast %get3A_292 : i32 to index
      %get3A_294 = arith.constant 96 : index
      %get3A_295 = tpu.vector_load %arg4[%get3A_293, %get3A_294] {strides = array<i32>} : memref<208x128xf32, #tpu.memory_space<vmem>>, vector<1x16xf32>,
      %get3A_296 = vector.shape_cast %get3A_295 : vector<1x16xf32> to vector<16xf32>
      %add3A_297 = arith.addf %sub3A_291, %get3A_296 : vector<16xf32>
      %get3A_298 = arith.constant 1 : i32
      %get3A_299 = arith.index_cast %get3A_298 : i32 to index
      %get3A_300 = arith.constant 112 : index
      %get3A_301 = tpu.vector_load %arg4[%get3A_299, %get3A_300] {strides = array<i32>} : memref<208x128xf32, #tpu.memory_space<vmem>>, vector<1x16xf32>,
      %get3A_302 = vector.shape_cast %get3A_301 : vector<1x16xf32> to vector<16xf32>
      %sub3A_303 = arith.subf %add3A_165, %get3A_302 : vector<16xf32>
      %get3A_304 = arith.constant 201 : i32
      %get3A_305 = arith.index_cast %get3A_304 : i32 to index
      %get3A_306 = arith.constant 112 : index
      %get3A_307 = tpu.vector_load %arg4[%get3A_305, %get3A_306] {strides = array<i32>} : memref<208x128xf32, #tpu.memory_space<vmem>>, vector<1x16xf32>,
      %get3A_308 = vector.shape_cast %get3A_307 : vector<1x16xf32> to vector<16xf32>
      %add3A_309 = arith.addf %sub3A_303, %get3A_308 : vector<16xf32>
      %swap3A_310 = arith.constant 2 : i32
      %swap3A_311 = arith.index_cast %swap3A_310 : i32 to index
      %swap3A_312 = arith.constant 0 : index
      %swap3A_313 = tpu.vector_load %arg5[%swap3A_311, %swap3A_312] {strides = array<i32>} : memref<8x128xf32, #tpu.memory_space<vmem>>, vector<1x16xf32>,
      %swap3A_314 = vector.shape_cast %swap3A_313 : vector<1x16xf32> to vector<16xf32>
      %swap3A_315 = vector.shape_cast %add3A_225 : vector<16xf32> to vector<1x16xf32>
      tpu.vector_store %arg5[%swap3A_311, %swap3A_312], %swap3A_315 {strides = array<i32>} : memref<8x128xf32, #tpu.memory_space<vmem>>, vector<1x16xf32>,
      %swap3A_316 = arith.constant 2 : i32
      %swap3A_317 = arith.index_cast %swap3A_316 : i32 to index
      %swap3A_318 = arith.constant 16 : index
      %swap3A_319 = tpu.vector_load %arg5[%swap3A_317, %swap3A_318] {strides = array<i32>} : memref<8x128xf32, #tpu.memory_space<vmem>>, vector<1x16xf32>,
      %swap3A_320 = vector.shape_cast %swap3A_319 : vector<1x16xf32> to vector<16xf32>
      %swap3A_321 = vector.shape_cast %add3A_237 : vector<16xf32> to vector<1x16xf32>
      tpu.vector_store %arg5[%swap3A_317, %swap3A_318], %swap3A_321 {strides = array<i32>} : memref<8x128xf32, #tpu.memory_space<vmem>>, vector<1x16xf32>,
      %swap3A_322 = arith.constant 2 : i32
      %swap3A_323 = arith.index_cast %swap3A_322 : i32 to index
      %swap3A_324 = arith.constant 32 : index
      %swap3A_325 = tpu.vector_load %arg5[%swap3A_323, %swap3A_324] {strides = array<i32>} : memref<8x128xf32, #tpu.memory_space<vmem>>, vector<1x16xf32>,
      %swap3A_326 = vector.shape_cast %swap3A_325 : vector<1x16xf32> to vector<16xf32>
      %swap3A_327 = vector.shape_cast %add3A_249 : vector<16xf32> to vector<1x16xf32>
      tpu.vector_store %arg5[%swap3A_323, %swap3A_324], %swap3A_327 {strides = array<i32>} : memref<8x128xf32, #tpu.memory_space<vmem>>, vector<1x16xf32>,
      %swap3A_328 = arith.constant 2 : i32
      %swap3A_329 = arith.index_cast %swap3A_328 : i32 to index
      %swap3A_330 = arith.constant 48 : index
      %swap3A_331 = tpu.vector_load %arg5[%swap3A_329, %swap3A_330] {strides = array<i32>} : memref<8x128xf32, #tpu.memory_space<vmem>>, vector<1x16xf32>,
      %swap3A_332 = vector.shape_cast %swap3A_331 : vector<1x16xf32> to vector<16xf32>
      %swap3A_333 = vector.shape_cast %add3A_261 : vector<16xf32> to vector<1x16xf32>
      tpu.vector_store %arg5[%swap3A_329, %swap3A_330], %swap3A_333 {strides = array<i32>} : memref<8x128xf32, #tpu.memory_space<vmem>>, vector<1x16xf32>,
      %swap3A_334 = arith.constant 2 : i32
      %swap3A_335 = arith.index_cast %swap3A_334 : i32 to index
      %swap3A_336 = arith.constant 64 : index
      %swap3A_337 = tpu.vector_load %arg5[%swap3A_335, %swap3A_336] {strides = array<i32>} : memref<8x128xf32, #tpu.memory_space<vmem>>, vector<1x16xf32>,
      %swap3A_338 = vector.shape_cast %swap3A_337 : vector<1x16xf32> to vector<16xf32>
      %swap3A_339 = vector.shape_cast %add3A_273 : vector<16xf32> to vector<1x16xf32>
      tpu.vector_store %arg5[%swap3A_335, %swap3A_336], %swap3A_339 {strides = array<i32>} : memref<8x128xf32, #tpu.memory_space<vmem>>, vector<1x16xf32>,
      %swap3A_340 = arith.constant 2 : i32
      %swap3A_341 = arith.index_cast %swap3A_340 : i32 to index
      %swap3A_342 = arith.constant 80 : index
      %swap3A_343 = tpu.vector_load %arg5[%swap3A_341, %swap3A_342] {strides = array<i32>} : memref<8x128xf32, #tpu.memory_space<vmem>>, vector<1x16xf32>,
      %swap3A_344 = vector.shape_cast %swap3A_343 : vector<1x16xf32> to vector<16xf32>
      %swap3A_345 = vector.shape_cast %add3A_285 : vector<16xf32> to vector<1x16xf32>
      tpu.vector_store %arg5[%swap3A_341, %swap3A_342], %swap3A_345 {strides = array<i32>} : memref<8x128xf32, #tpu.memory_space<vmem>>, vector<1x16xf32>,
      %swap3A_346 = arith.constant 2 : i32
      %swap3A_347 = arith.index_cast %swap3A_346 : i32 to index
      %swap3A_348 = arith.constant 96 : index
      %swap3A_349 = tpu.vector_load %arg5[%swap3A_347, %swap3A_348] {strides = array<i32>} : memref<8x128xf32, #tpu.memory_space<vmem>>, vector<1x16xf32>,
      %swap3A_350 = vector.shape_cast %swap3A_349 : vector<1x16xf32> to vector<16xf32>
      %swap3A_351 = vector.shape_cast %add3A_297 : vector<16xf32> to vector<1x16xf32>
      tpu.vector_store %arg5[%swap3A_347, %swap3A_348], %swap3A_351 {strides = array<i32>} : memref<8x128xf32, #tpu.memory_space<vmem>>, vector<1x16xf32>,
      %swap3A_352 = arith.constant 2 : i32
      %swap3A_353 = arith.index_cast %swap3A_352 : i32 to index
      %swap3A_354 = arith.constant 112 : index
      %swap3A_355 = tpu.vector_load %arg5[%swap3A_353, %swap3A_354] {strides = array<i32>} : memref<8x128xf32, #tpu.memory_space<vmem>>, vector<1x16xf32>,
      %swap3A_356 = vector.shape_cast %swap3A_355 : vector<1x16xf32> to vector<16xf32>
      %swap3A_357 = vector.shape_cast %add3A_309 : vector<16xf32> to vector<1x16xf32>
      tpu.vector_store %arg5[%swap3A_353, %swap3A_354], %swap3A_357 {strides = array<i32>} : memref<8x128xf32, #tpu.memory_space<vmem>>, vector<1x16xf32>,
      %get3A_358 = arith.constant 2 : i32
      %get3A_359 = arith.index_cast %get3A_358 : i32 to index
      %get3A_360 = arith.constant 0 : index
      %get3A_361 = tpu.vector_load %arg4[%get3A_359, %get3A_360] {strides = array<i32>} : memref<208x128xf32, #tpu.memory_space<vmem>>, vector<1x16xf32>,
      %get3A_362 = vector.shape_cast %get3A_361 : vector<1x16xf32> to vector<16xf32>
      %sub3A_363 = arith.subf %add3A_225, %get3A_362 : vector<16xf32>
      %get3A_364 = arith.constant 202 : i32
      %get3A_365 = arith.index_cast %get3A_364 : i32 to index
      %get3A_366 = arith.constant 0 : index
      %get3A_367 = tpu.vector_load %arg4[%get3A_365, %get3A_366] {strides = array<i32>} : memref<208x128xf32, #tpu.memory_space<vmem>>, vector<1x16xf32>,
      %get3A_368 = vector.shape_cast %get3A_367 : vector<1x16xf32> to vector<16xf32>
      %add3A_369 = arith.addf %sub3A_363, %get3A_368 : vector<16xf32>
      %get3A_370 = arith.constant 2 : i32
      %get3A_371 = arith.index_cast %get3A_370 : i32 to index
      %get3A_372 = arith.constant 16 : index
      %get3A_373 = tpu.vector_load %arg4[%get3A_371, %get3A_372] {strides = array<i32>} : memref<208x128xf32, #tpu.memory_space<vmem>>, vector<1x16xf32>,
      %get3A_374 = vector.shape_cast %get3A_373 : vector<1x16xf32> to vector<16xf32>
      %sub3A_375 = arith.subf %add3A_237, %get3A_374 : vector<16xf32>
      %get3A_376 = arith.constant 202 : i32
      %get3A_377 = arith.index_cast %get3A_376 : i32 to index
      %get3A_378 = arith.constant 16 : index
      %get3A_379 = tpu.vector_load %arg4[%get3A_377, %get3A_378] {strides = array<i32>} : memref<208x128xf32, #tpu.memory_space<vmem>>, vector<1x16xf32>,
      %get3A_380 = vector.shape_cast %get3A_379 : vector<1x16xf32> to vector<16xf32>
      %add3A_381 = arith.addf %sub3A_375, %get3A_380 : vector<16xf32>
      %get3A_382 = arith.constant 2 : i32
      %get3A_383 = arith.index_cast %get3A_382 : i32 to index
      %get3A_384 = arith.constant 32 : index
      %get3A_385 = tpu.vector_load %arg4[%get3A_383, %get3A_384] {strides = array<i32>} : memref<208x128xf32, #tpu.memory_space<vmem>>, vector<1x16xf32>,
      %get3A_386 = vector.shape_cast %get3A_385 : vector<1x16xf32> to vector<16xf32>
      %sub3A_387 = arith.subf %add3A_249, %get3A_386 : vector<16xf32>
      %get3A_388 = arith.constant 202 : i32
      %get3A_389 = arith.index_cast %get3A_388 : i32 to index
      %get3A_390 = arith.constant 32 : index
      %get3A_391 = tpu.vector_load %arg4[%get3A_389, %get3A_390] {strides = array<i32>} : memref<208x128xf32, #tpu.memory_space<vmem>>, vector<1x16xf32>,
      %get3A_392 = vector.shape_cast %get3A_391 : vector<1x16xf32> to vector<16xf32>
      %add3A_393 = arith.addf %sub3A_387, %get3A_392 : vector<16xf32>
      %get3A_394 = arith.constant 2 : i32
      %get3A_395 = arith.index_cast %get3A_394 : i32 to index
      %get3A_396 = arith.constant 48 : index
      %get3A_397 = tpu.vector_load %arg4[%get3A_395, %get3A_396] {strides = array<i32>} : memref<208x128xf32, #tpu.memory_space<vmem>>, vector<1x16xf32>,
      %get3A_398 = vector.shape_cast %get3A_397 : vector<1x16xf32> to vector<16xf32>
      %sub3A_399 = arith.subf %add3A_261, %get3A_398 : vector<16xf32>
      %get3A_400 = arith.constant 202 : i32
      %get3A_401 = arith.index_cast %get3A_400 : i32 to index
      %get3A_402 = arith.constant 48 : index
      %get3A_403 = tpu.vector_load %arg4[%get3A_401, %get3A_402] {strides = array<i32>} : memref<208x128xf32, #tpu.memory_space<vmem>>, vector<1x16xf32>,
      %get3A_404 = vector.shape_cast %get3A_403 : vector<1x16xf32> to vector<16xf32>
      %add3A_405 = arith.addf %sub3A_399, %get3A_404 : vector<16xf32>
      %get3A_406 = arith.constant 2 : i32
      %get3A_407 = arith.index_cast %get3A_406 : i32 to index
      %get3A_408 = arith.constant 64 : index
      %get3A_409 = tpu.vector_load %arg4[%get3A_407, %get3A_408] {strides = array<i32>} : memref<208x128xf32, #tpu.memory_space<vmem>>, vector<1x16xf32>,
      %get3A_410 = vector.shape_cast %get3A_409 : vector<1x16xf32> to vector<16xf32>
      %sub3A_411 = arith.subf %add3A_273, %get3A_410 : vector<16xf32>
      %get3A_412 = arith.constant 202 : i32
      %get3A_413 = arith.index_cast %get3A_412 : i32 to index
      %get3A_414 = arith.constant 64 : index
      %get3A_415 = tpu.vector_load %arg4[%get3A_413, %get3A_414] {strides = array<i32>} : memref<208x128xf32, #tpu.memory_space<vmem>>, vector<1x16xf32>,
      %get3A_416 = vector.shape_cast %get3A_415 : vector<1x16xf32> to vector<16xf32>
      %add3A_417 = arith.addf %sub3A_411, %get3A_416 : vector<16xf32>
      %get3A_418 = arith.constant 2 : i32
      %get3A_419 = arith.index_cast %get3A_418 : i32 to index
      %get3A_420 = arith.constant 80 : index
      %get3A_421 = tpu.vector_load %arg4[%get3A_419, %get3A_420] {strides = array<i32>} : memref<208x128xf32, #tpu.memory_space<vmem>>, vector<1x16xf32>,
      %get3A_422 = vector.shape_cast %get3A_421 : vector<1x16xf32> to vector<16xf32>
      %sub3A_423 = arith.subf %add3A_285, %get3A_422 : vector<16xf32>
      %get3A_424 = arith.constant 202 : i32
      %get3A_425 = arith.index_cast %get3A_424 : i32 to index
      %get3A_426 = arith.constant 80 : index
      %get3A_427 = tpu.vector_load %arg4[%get3A_425, %get3A_426] {strides = array<i32>} : memref<208x128xf32, #tpu.memory_space<vmem>>, vector<1x16xf32>,
      %get3A_428 = vector.shape_cast %get3A_427 : vector<1x16xf32> to vector<16xf32>
      %add3A_429 = arith.addf %sub3A_423, %get3A_428 : vector<16xf32>
      %get3A_430 = arith.constant 2 : i32
      %get3A_431 = arith.index_cast %get3A_430 : i32 to index
      %get3A_432 = arith.constant 96 : index
      %get3A_433 = tpu.vector_load %arg4[%get3A_431, %get3A_432] {strides = array<i32>} : memref<208x128xf32, #tpu.memory_space<vmem>>, vector<1x16xf32>,
      %get3A_434 = vector.shape_cast %get3A_433 : vector<1x16xf32> to vector<16xf32>
      %sub3A_435 = arith.subf %add3A_297, %get3A_434 : vector<16xf32>
      %get3A_436 = arith.constant 202 : i32
      %get3A_437 = arith.index_cast %get3A_436 : i32 to index
      %get3A_438 = arith.constant 96 : index
      %get3A_439 = tpu.vector_load %arg4[%get3A_437, %get3A_438] {strides = array<i32>} : memref<208x128xf32, #tpu.memory_space<vmem>>, vector<1x16xf32>,
      %get3A_440 = vector.shape_cast %get3A_439 : vector<1x16xf32> to vector<16xf32>
      %add3A_441 = arith.addf %sub3A_435, %get3A_440 : vector<16xf32>
      %get3A_442 = arith.constant 2 : i32
      %get3A_443 = arith.index_cast %get3A_442 : i32 to index
      %get3A_444 = arith.constant 112 : index
      %get3A_445 = tpu.vector_load %arg4[%get3A_443, %get3A_444] {strides = array<i32>} : memref<208x128xf32, #tpu.memory_space<vmem>>, vector<1x16xf32>,
      %get3A_446 = vector.shape_cast %get3A_445 : vector<1x16xf32> to vector<16xf32>
      %sub3A_447 = arith.subf %add3A_309, %get3A_446 : vector<16xf32>
      %get3A_448 = arith.constant 202 : i32
      %get3A_449 = arith.index_cast %get3A_448 : i32 to index
      %get3A_450 = arith.constant 112 : index
      %get3A_451 = tpu.vector_load %arg4[%get3A_449, %get3A_450] {strides = array<i32>} : memref<208x128xf32, #tpu.memory_space<vmem>>, vector<1x16xf32>,
      %get3A_452 = vector.shape_cast %get3A_451 : vector<1x16xf32> to vector<16xf32>
      %add3A_453 = arith.addf %sub3A_447, %get3A_452 : vector<16xf32>
      %swap3A_454 = arith.constant 3 : i32
      %swap3A_455 = arith.index_cast %swap3A_454 : i32 to index
      %swap3A_456 = arith.constant 0 : index
      %swap3A_457 = tpu.vector_load %arg5[%swap3A_455, %swap3A_456] {strides = array<i32>} : memref<8x128xf32, #tpu.memory_space<vmem>>, vector<1x16xf32>,
      %swap3A_458 = vector.shape_cast %swap3A_457 : vector<1x16xf32> to vector<16xf32>
      %swap3A_459 = vector.shape_cast %add3A_369 : vector<16xf32> to vector<1x16xf32>
      tpu.vector_store %arg5[%swap3A_455, %swap3A_456], %swap3A_459 {strides = array<i32>} : memref<8x128xf32, #tpu.memory_space<vmem>>, vector<1x16xf32>,
      %swap3A_460 = arith.constant 3 : i32
      %swap3A_461 = arith.index_cast %swap3A_460 : i32 to index
      %swap3A_462 = arith.constant 16 : index
      %swap3A_463 = tpu.vector_load %arg5[%swap3A_461, %swap3A_462] {strides = array<i32>} : memref<8x128xf32, #tpu.memory_space<vmem>>, vector<1x16xf32>,
      %swap3A_464 = vector.shape_cast %swap3A_463 : vector<1x16xf32> to vector<16xf32>
      %swap3A_465 = vector.shape_cast %add3A_381 : vector<16xf32> to vector<1x16xf32>
      tpu.vector_store %arg5[%swap3A_461, %swap3A_462], %swap3A_465 {strides = array<i32>} : memref<8x128xf32, #tpu.memory_space<vmem>>, vector<1x16xf32>,
      %swap3A_466 = arith.constant 3 : i32
      %swap3A_467 = arith.index_cast %swap3A_466 : i32 to index
      %swap3A_468 = arith.constant 32 : index
      %swap3A_469 = tpu.vector_load %arg5[%swap3A_467, %swap3A_468] {strides = array<i32>} : memref<8x128xf32, #tpu.memory_space<vmem>>, vector<1x16xf32>,
      %swap3A_470 = vector.shape_cast %swap3A_469 : vector<1x16xf32> to vector<16xf32>
      %swap3A_471 = vector.shape_cast %add3A_393 : vector<16xf32> to vector<1x16xf32>
      tpu.vector_store %arg5[%swap3A_467, %swap3A_468], %swap3A_471 {strides = array<i32>} : memref<8x128xf32, #tpu.memory_space<vmem>>, vector<1x16xf32>,
      %swap3A_472 = arith.constant 3 : i32
      %swap3A_473 = arith.index_cast %swap3A_472 : i32 to index
      %swap3A_474 = arith.constant 48 : index
      %swap3A_475 = tpu.vector_load %arg5[%swap3A_473, %swap3A_474] {strides = array<i32>} : memref<8x128xf32, #tpu.memory_space<vmem>>, vector<1x16xf32>,
      %swap3A_476 = vector.shape_cast %swap3A_475 : vector<1x16xf32> to vector<16xf32>
      %swap3A_477 = vector.shape_cast %add3A_405 : vector<16xf32> to vector<1x16xf32>
      tpu.vector_store %arg5[%swap3A_473, %swap3A_474], %swap3A_477 {strides = array<i32>} : memref<8x128xf32, #tpu.memory_space<vmem>>, vector<1x16xf32>,
      %swap3A_478 = arith.constant 3 : i32
      %swap3A_479 = arith.index_cast %swap3A_478 : i32 to index
      %swap3A_480 = arith.constant 64 : index
      %swap3A_481 = tpu.vector_load %arg5[%swap3A_479, %swap3A_480] {strides = array<i32>} : memref<8x128xf32, #tpu.memory_space<vmem>>, vector<1x16xf32>,
      %swap3A_482 = vector.shape_cast %swap3A_481 : vector<1x16xf32> to vector<16xf32>
      %swap3A_483 = vector.shape_cast %add3A_417 : vector<16xf32> to vector<1x16xf32>
      tpu.vector_store %arg5[%swap3A_479, %swap3A_480], %swap3A_483 {strides = array<i32>} : memref<8x128xf32, #tpu.memory_space<vmem>>, vector<1x16xf32>,
      %swap3A_484 = arith.constant 3 : i32
      %swap3A_485 = arith.index_cast %swap3A_484 : i32 to index
      %swap3A_486 = arith.constant 80 : index
      %swap3A_487 = tpu.vector_load %arg5[%swap3A_485, %swap3A_486] {strides = array<i32>} : memref<8x128xf32, #tpu.memory_space<vmem>>, vector<1x16xf32>,
      %swap3A_488 = vector.shape_cast %swap3A_487 : vector<1x16xf32> to vector<16xf32>
      %swap3A_489 = vector.shape_cast %add3A_429 : vector<16xf32> to vector<1x16xf32>
      tpu.vector_store %arg5[%swap3A_485, %swap3A_486], %swap3A_489 {strides = array<i32>} : memref<8x128xf32, #tpu.memory_space<vmem>>, vector<1x16xf32>,
      %swap3A_490 = arith.constant 3 : i32
      %swap3A_491 = arith.index_cast %swap3A_490 : i32 to index
      %swap3A_492 = arith.constant 96 : index
      %swap3A_493 = tpu.vector_load %arg5[%swap3A_491, %swap3A_492] {strides = array<i32>} : memref<8x128xf32, #tpu.memory_space<vmem>>, vector<1x16xf32>,
      %swap3A_494 = vector.shape_cast %swap3A_493 : vector<1x16xf32> to vector<16xf32>
      %swap3A_495 = vector.shape_cast %add3A_441 : vector<16xf32> to vector<1x16xf32>
      tpu.vector_store %arg5[%swap3A_491, %swap3A_492], %swap3A_495 {strides = array<i32>} : memref<8x128xf32, #tpu.memory_space<vmem>>, vector<1x16xf32>,
      %swap3A_496 = arith.constant 3 : i32
      %swap3A_497 = arith.index_cast %swap3A_496 : i32 to index
      %swap3A_498 = arith.constant 112 : index
      %swap3A_499 = tpu.vector_load %arg5[%swap3A_497, %swap3A_498] {strides = array<i32>} : memref<8x128xf32, #tpu.memory_space<vmem>>, vector<1x16xf32>,
      %swap3A_500 = vector.shape_cast %swap3A_499 : vector<1x16xf32> to vector<16xf32>
      %swap3A_501 = vector.shape_cast %add3A_453 : vector<16xf32> to vector<1x16xf32>
      tpu.vector_store %arg5[%swap3A_497, %swap3A_498], %swap3A_501 {strides = array<i32>} : memref<8x128xf32, #tpu.memory_space<vmem>>, vector<1x16xf32>,
      %get3A_502 = arith.constant 3 : i32
      %get3A_503 = arith.index_cast %get3A_502 : i32 to index
      %get3A_504 = arith.constant 0 : index
      %get3A_505 = tpu.vector_load %arg4[%get3A_503, %get3A_504] {strides = array<i32>} : memref<208x128xf32, #tpu.memory_space<vmem>>, vector<1x16xf32>,
      %get3A_506 = vector.shape_cast %get3A_505 : vector<1x16xf32> to vector<16xf32>
      %sub3A_507 = arith.subf %add3A_369, %get3A_506 : vector<16xf32>
      %get3A_508 = arith.constant 203 : i32
      %get3A_509 = arith.index_cast %get3A_508 : i32 to index
      %get3A_510 = arith.constant 0 : index
      %get3A_511 = tpu.vector_load %arg4[%get3A_509, %get3A_510] {strides = array<i32>} : memref<208x128xf32, #tpu.memory_space<vmem>>, vector<1x16xf32>,
      %get3A_512 = vector.shape_cast %get3A_511 : vector<1x16xf32> to vector<16xf32>
      %add3A_513 = arith.addf %sub3A_507, %get3A_512 : vector<16xf32>
      %get3A_514 = arith.constant 3 : i32
      %get3A_515 = arith.index_cast %get3A_514 : i32 to index
      %get3A_516 = arith.constant 16 : index
      %get3A_517 = tpu.vector_load %arg4[%get3A_515, %get3A_516] {strides = array<i32>} : memref<208x128xf32, #tpu.memory_space<vmem>>, vector<1x16xf32>,
      %get3A_518 = vector.shape_cast %get3A_517 : vector<1x16xf32> to vector<16xf32>
      %sub3A_519 = arith.subf %add3A_381, %get3A_518 : vector<16xf32>
      %get3A_520 = arith.constant 203 : i32
      %get3A_521 = arith.index_cast %get3A_520 : i32 to index
      %get3A_522 = arith.constant 16 : index
      %get3A_523 = tpu.vector_load %arg4[%get3A_521, %get3A_522] {strides = array<i32>} : memref<208x128xf32, #tpu.memory_space<vmem>>, vector<1x16xf32>,
      %get3A_524 = vector.shape_cast %get3A_523 : vector<1x16xf32> to vector<16xf32>
      %add3A_525 = arith.addf %sub3A_519, %get3A_524 : vector<16xf32>
      %get3A_526 = arith.constant 3 : i32
      %get3A_527 = arith.index_cast %get3A_526 : i32 to index
      %get3A_528 = arith.constant 32 : index
      %get3A_529 = tpu.vector_load %arg4[%get3A_527, %get3A_528] {strides = array<i32>} : memref<208x128xf32, #tpu.memory_space<vmem>>, vector<1x16xf32>,
      %get3A_530 = vector.shape_cast %get3A_529 : vector<1x16xf32> to vector<16xf32>
      %sub3A_531 = arith.subf %add3A_393, %get3A_530 : vector<16xf32>
      %get3A_532 = arith.constant 203 : i32
      %get3A_533 = arith.index_cast %get3A_532 : i32 to index
      %get3A_534 = arith.constant 32 : index
      %get3A_535 = tpu.vector_load %arg4[%get3A_533, %get3A_534] {strides = array<i32>} : memref<208x128xf32, #tpu.memory_space<vmem>>, vector<1x16xf32>,
      %get3A_536 = vector.shape_cast %get3A_535 : vector<1x16xf32> to vector<16xf32>
      %add3A_537 = arith.addf %sub3A_531, %get3A_536 : vector<16xf32>
      %get3A_538 = arith.constant 3 : i32
      %get3A_539 = arith.index_cast %get3A_538 : i32 to index
      %get3A_540 = arith.constant 48 : index
      %get3A_541 = tpu.vector_load %arg4[%get3A_539, %get3A_540] {strides = array<i32>} : memref<208x128xf32, #tpu.memory_space<vmem>>, vector<1x16xf32>,
      %get3A_542 = vector.shape_cast %get3A_541 : vector<1x16xf32> to vector<16xf32>
      %sub3A_543 = arith.subf %add3A_405, %get3A_542 : vector<16xf32>
      %get3A_544 = arith.constant 203 : i32
      %get3A_545 = arith.index_cast %get3A_544 : i32 to index
      %get3A_546 = arith.constant 48 : index
      %get3A_547 = tpu.vector_load %arg4[%get3A_545, %get3A_546] {strides = array<i32>} : memref<208x128xf32, #tpu.memory_space<vmem>>, vector<1x16xf32>,
      %get3A_548 = vector.shape_cast %get3A_547 : vector<1x16xf32> to vector<16xf32>
      %add3A_549 = arith.addf %sub3A_543, %get3A_548 : vector<16xf32>
      %get3A_550 = arith.constant 3 : i32
      %get3A_551 = arith.index_cast %get3A_550 : i32 to index
      %get3A_552 = arith.constant 64 : index
      %get3A_553 = tpu.vector_load %arg4[%get3A_551, %get3A_552] {strides = array<i32>} : memref<208x128xf32, #tpu.memory_space<vmem>>, vector<1x16xf32>,
      %get3A_554 = vector.shape_cast %get3A_553 : vector<1x16xf32> to vector<16xf32>
      %sub3A_555 = arith.subf %add3A_417, %get3A_554 : vector<16xf32>
      %get3A_556 = arith.constant 203 : i32
      %get3A_557 = arith.index_cast %get3A_556 : i32 to index
      %get3A_558 = arith.constant 64 : index
      %get3A_559 = tpu.vector_load %arg4[%get3A_557, %get3A_558] {strides = array<i32>} : memref<208x128xf32, #tpu.memory_space<vmem>>, vector<1x16xf32>,
      %get3A_560 = vector.shape_cast %get3A_559 : vector<1x16xf32> to vector<16xf32>
      %add3A_561 = arith.addf %sub3A_555, %get3A_560 : vector<16xf32>
      %get3A_562 = arith.constant 3 : i32
      %get3A_563 = arith.index_cast %get3A_562 : i32 to index
      %get3A_564 = arith.constant 80 : index
      %get3A_565 = tpu.vector_load %arg4[%get3A_563, %get3A_564] {strides = array<i32>} : memref<208x128xf32, #tpu.memory_space<vmem>>, vector<1x16xf32>,
      %get3A_566 = vector.shape_cast %get3A_565 : vector<1x16xf32> to vector<16xf32>
      %sub3A_567 = arith.subf %add3A_429, %get3A_566 : vector<16xf32>
      %get3A_568 = arith.constant 203 : i32
      %get3A_569 = arith.index_cast %get3A_568 : i32 to index
      %get3A_570 = arith.constant 80 : index
      %get3A_571 = tpu.vector_load %arg4[%get3A_569, %get3A_570] {strides = array<i32>} : memref<208x128xf32, #tpu.memory_space<vmem>>, vector<1x16xf32>,
      %get3A_572 = vector.shape_cast %get3A_571 : vector<1x16xf32> to vector<16xf32>
      %add3A_573 = arith.addf %sub3A_567, %get3A_572 : vector<16xf32>
      %get3A_574 = arith.constant 3 : i32
      %get3A_575 = arith.index_cast %get3A_574 : i32 to index
      %get3A_576 = arith.constant 96 : index
      %get3A_577 = tpu.vector_load %arg4[%get3A_575, %get3A_576] {strides = array<i32>} : memref<208x128xf32, #tpu.memory_space<vmem>>, vector<1x16xf32>,
      %get3A_578 = vector.shape_cast %get3A_577 : vector<1x16xf32> to vector<16xf32>
      %sub3A_579 = arith.subf %add3A_441, %get3A_578 : vector<16xf32>
      %get3A_580 = arith.constant 203 : i32
      %get3A_581 = arith.index_cast %get3A_580 : i32 to index
      %get3A_582 = arith.constant 96 : index
      %get3A_583 = tpu.vector_load %arg4[%get3A_581, %get3A_582] {strides = array<i32>} : memref<208x128xf32, #tpu.memory_space<vmem>>, vector<1x16xf32>,
      %get3A_584 = vector.shape_cast %get3A_583 : vector<1x16xf32> to vector<16xf32>
      %add3A_585 = arith.addf %sub3A_579, %get3A_584 : vector<16xf32>
      %get3A_586 = arith.constant 3 : i32
      %get3A_587 = arith.index_cast %get3A_586 : i32 to index
      %get3A_588 = arith.constant 112 : index
      %get3A_589 = tpu.vector_load %arg4[%get3A_587, %get3A_588] {strides = array<i32>} : memref<208x128xf32, #tpu.memory_space<vmem>>, vector<1x16xf32>,
      %get3A_590 = vector.shape_cast %get3A_589 : vector<1x16xf32> to vector<16xf32>
      %sub3A_591 = arith.subf %add3A_453, %get3A_590 : vector<16xf32>
      %get3A_592 = arith.constant 203 : i32
      %get3A_593 = arith.index_cast %get3A_592 : i32 to index
      %get3A_594 = arith.constant 112 : index
      %get3A_595 = tpu.vector_load %arg4[%get3A_593, %get3A_594] {strides = array<i32>} : memref<208x128xf32, #tpu.memory_space<vmem>>, vector<1x16xf32>,
      %get3A_596 = vector.shape_cast %get3A_595 : vector<1x16xf32> to vector<16xf32>
      %add3A_597 = arith.addf %sub3A_591, %get3A_596 : vector<16xf32>
      %swap3A_598 = arith.constant 4 : i32
      %swap3A_599 = arith.index_cast %swap3A_598 : i32 to index
      %swap3A_600 = arith.constant 0 : index
      %swap3A_601 = tpu.vector_load %arg5[%swap3A_599, %swap3A_600] {strides = array<i32>} : memref<8x128xf32, #tpu.memory_space<vmem>>, vector<1x16xf32>,
      %swap3A_602 = vector.shape_cast %swap3A_601 : vector<1x16xf32> to vector<16xf32>
      %swap3A_603 = vector.shape_cast %add3A_513 : vector<16xf32> to vector<1x16xf32>
      tpu.vector_store %arg5[%swap3A_599, %swap3A_600], %swap3A_603 {strides = array<i32>} : memref<8x128xf32, #tpu.memory_space<vmem>>, vector<1x16xf32>,
      %swap3A_604 = arith.constant 4 : i32
      %swap3A_605 = arith.index_cast %swap3A_604 : i32 to index
      %swap3A_606 = arith.constant 16 : index
      %swap3A_607 = tpu.vector_load %arg5[%swap3A_605, %swap3A_606] {strides = array<i32>} : memref<8x128xf32, #tpu.memory_space<vmem>>, vector<1x16xf32>,
      %swap3A_608 = vector.shape_cast %swap3A_607 : vector<1x16xf32> to vector<16xf32>
      %swap3A_609 = vector.shape_cast %add3A_525 : vector<16xf32> to vector<1x16xf32>
      tpu.vector_store %arg5[%swap3A_605, %swap3A_606], %swap3A_609 {strides = array<i32>} : memref<8x128xf32, #tpu.memory_space<vmem>>, vector<1x16xf32>,
      %swap3A_610 = arith.constant 4 : i32
      %swap3A_611 = arith.index_cast %swap3A_610 : i32 to index
      %swap3A_612 = arith.constant 32 : index
      %swap3A_613 = tpu.vector_load %arg5[%swap3A_611, %swap3A_612] {strides = array<i32>} : memref<8x128xf32, #tpu.memory_space<vmem>>, vector<1x16xf32>,
      %swap3A_614 = vector.shape_cast %swap3A_613 : vector<1x16xf32> to vector<16xf32>
      %swap3A_615 = vector.shape_cast %add3A_537 : vector<16xf32> to vector<1x16xf32>
      tpu.vector_store %arg5[%swap3A_611, %swap3A_612], %swap3A_615 {strides = array<i32>} : memref<8x128xf32, #tpu.memory_space<vmem>>, vector<1x16xf32>,
      %swap3A_616 = arith.constant 4 : i32
      %swap3A_617 = arith.index_cast %swap3A_616 : i32 to index
      %swap3A_618 = arith.constant 48 : index
      %swap3A_619 = tpu.vector_load %arg5[%swap3A_617, %swap3A_618] {strides = array<i32>} : memref<8x128xf32, #tpu.memory_space<vmem>>, vector<1x16xf32>,
      %swap3A_620 = vector.shape_cast %swap3A_619 : vector<1x16xf32> to vector<16xf32>
      %swap3A_621 = vector.shape_cast %add3A_549 : vector<16xf32> to vector<1x16xf32>
      tpu.vector_store %arg5[%swap3A_617, %swap3A_618], %swap3A_621 {strides = array<i32>} : memref<8x128xf32, #tpu.memory_space<vmem>>, vector<1x16xf32>,
      %swap3A_622 = arith.constant 4 : i32
      %swap3A_623 = arith.index_cast %swap3A_622 : i32 to index
      %swap3A_624 = arith.constant 64 : index
      %swap3A_625 = tpu.vector_load %arg5[%swap3A_623, %swap3A_624] {strides = array<i32>} : memref<8x128xf32, #tpu.memory_space<vmem>>, vector<1x16xf32>,
      %swap3A_626 = vector.shape_cast %swap3A_625 : vector<1x16xf32> to vector<16xf32>
      %swap3A_627 = vector.shape_cast %add3A_561 : vector<16xf32> to vector<1x16xf32>
      tpu.vector_store %arg5[%swap3A_623, %swap3A_624], %swap3A_627 {strides = array<i32>} : memref<8x128xf32, #tpu.memory_space<vmem>>, vector<1x16xf32>,
      %swap3A_628 = arith.constant 4 : i32
      %swap3A_629 = arith.index_cast %swap3A_628 : i32 to index
      %swap3A_630 = arith.constant 80 : index
      %swap3A_631 = tpu.vector_load %arg5[%swap3A_629, %swap3A_630] {strides = array<i32>} : memref<8x128xf32, #tpu.memory_space<vmem>>, vector<1x16xf32>,
      %swap3A_632 = vector.shape_cast %swap3A_631 : vector<1x16xf32> to vector<16xf32>
      %swap3A_633 = vector.shape_cast %add3A_573 : vector<16xf32> to vector<1x16xf32>
      tpu.vector_store %arg5[%swap3A_629, %swap3A_630], %swap3A_633 {strides = array<i32>} : memref<8x128xf32, #tpu.memory_space<vmem>>, vector<1x16xf32>,
      %swap3A_634 = arith.constant 4 : i32
      %swap3A_635 = arith.index_cast %swap3A_634 : i32 to index
      %swap3A_636 = arith.constant 96 : index
      %swap3A_637 = tpu.vector_load %arg5[%swap3A_635, %swap3A_636] {strides = array<i32>} : memref<8x128xf32, #tpu.memory_space<vmem>>, vector<1x16xf32>,
      %swap3A_638 = vector.shape_cast %swap3A_637 : vector<1x16xf32> to vector<16xf32>
      %swap3A_639 = vector.shape_cast %add3A_585 : vector<16xf32> to vector<1x16xf32>
      tpu.vector_store %arg5[%swap3A_635, %swap3A_636], %swap3A_639 {strides = array<i32>} : memref<8x128xf32, #tpu.memory_space<vmem>>, vector<1x16xf32>,
      %swap3A_640 = arith.constant 4 : i32
      %swap3A_641 = arith.index_cast %swap3A_640 : i32 to index
      %swap3A_642 = arith.constant 112 : index
      %swap3A_643 = tpu.vector_load %arg5[%swap3A_641, %swap3A_642] {strides = array<i32>} : memref<8x128xf32, #tpu.memory_space<vmem>>, vector<1x16xf32>,
      %swap3A_644 = vector.shape_cast %swap3A_643 : vector<1x16xf32> to vector<16xf32>
      %swap3A_645 = vector.shape_cast %add3A_597 : vector<16xf32> to vector<1x16xf32>
      tpu.vector_store %arg5[%swap3A_641, %swap3A_642], %swap3A_645 {strides = array<i32>} : memref<8x128xf32, #tpu.memory_space<vmem>>, vector<1x16xf32>,
      %get3A_646 = arith.constant 4 : i32
      %get3A_647 = arith.index_cast %get3A_646 : i32 to index
      %get3A_648 = arith.constant 0 : index
      %get3A_649 = tpu.vector_load %arg4[%get3A_647, %get3A_648] {strides = array<i32>} : memref<208x128xf32, #tpu.memory_space<vmem>>, vector<1x16xf32>,
      %get3A_650 = vector.shape_cast %get3A_649 : vector<1x16xf32> to vector<16xf32>
      %sub3A_651 = arith.subf %add3A_513, %get3A_650 : vector<16xf32>
      %get3A_652 = arith.constant 204 : i32
      %get3A_653 = arith.index_cast %get3A_652 : i32 to index
      %get3A_654 = arith.constant 0 : index
      %get3A_655 = tpu.vector_load %arg4[%get3A_653, %get3A_654] {strides = array<i32>} : memref<208x128xf32, #tpu.memory_space<vmem>>, vector<1x16xf32>,
      %get3A_656 = vector.shape_cast %get3A_655 : vector<1x16xf32> to vector<16xf32>
      %add3A_657 = arith.addf %sub3A_651, %get3A_656 : vector<16xf32>
      %get3A_658 = arith.constant 4 : i32
      %get3A_659 = arith.index_cast %get3A_658 : i32 to index
      %get3A_660 = arith.constant 16 : index
      %get3A_661 = tpu.vector_load %arg4[%get3A_659, %get3A_660] {strides = array<i32>} : memref<208x128xf32, #tpu.memory_space<vmem>>, vector<1x16xf32>,
      %get3A_662 = vector.shape_cast %get3A_661 : vector<1x16xf32> to vector<16xf32>
      %sub3A_663 = arith.subf %add3A_525, %get3A_662 : vector<16xf32>
      %get3A_664 = arith.constant 204 : i32
      %get3A_665 = arith.index_cast %get3A_664 : i32 to index
      %get3A_666 = arith.constant 16 : index
      %get3A_667 = tpu.vector_load %arg4[%get3A_665, %get3A_666] {strides = array<i32>} : memref<208x128xf32, #tpu.memory_space<vmem>>, vector<1x16xf32>,
      %get3A_668 = vector.shape_cast %get3A_667 : vector<1x16xf32> to vector<16xf32>
      %add3A_669 = arith.addf %sub3A_663, %get3A_668 : vector<16xf32>
      %get3A_670 = arith.constant 4 : i32
      %get3A_671 = arith.index_cast %get3A_670 : i32 to index
      %get3A_672 = arith.constant 32 : index
      %get3A_673 = tpu.vector_load %arg4[%get3A_671, %get3A_672] {strides = array<i32>} : memref<208x128xf32, #tpu.memory_space<vmem>>, vector<1x16xf32>,
      %get3A_674 = vector.shape_cast %get3A_673 : vector<1x16xf32> to vector<16xf32>
      %sub3A_675 = arith.subf %add3A_537, %get3A_674 : vector<16xf32>
      %get3A_676 = arith.constant 204 : i32
      %get3A_677 = arith.index_cast %get3A_676 : i32 to index
      %get3A_678 = arith.constant 32 : index
      %get3A_679 = tpu.vector_load %arg4[%get3A_677, %get3A_678] {strides = array<i32>} : memref<208x128xf32, #tpu.memory_space<vmem>>, vector<1x16xf32>,
      %get3A_680 = vector.shape_cast %get3A_679 : vector<1x16xf32> to vector<16xf32>
      %add3A_681 = arith.addf %sub3A_675, %get3A_680 : vector<16xf32>
      %get3A_682 = arith.constant 4 : i32
      %get3A_683 = arith.index_cast %get3A_682 : i32 to index
      %get3A_684 = arith.constant 48 : index
      %get3A_685 = tpu.vector_load %arg4[%get3A_683, %get3A_684] {strides = array<i32>} : memref<208x128xf32, #tpu.memory_space<vmem>>, vector<1x16xf32>,
      %get3A_686 = vector.shape_cast %get3A_685 : vector<1x16xf32> to vector<16xf32>
      %sub3A_687 = arith.subf %add3A_549, %get3A_686 : vector<16xf32>
      %get3A_688 = arith.constant 204 : i32
      %get3A_689 = arith.index_cast %get3A_688 : i32 to index
      %get3A_690 = arith.constant 48 : index
      %get3A_691 = tpu.vector_load %arg4[%get3A_689, %get3A_690] {strides = array<i32>} : memref<208x128xf32, #tpu.memory_space<vmem>>, vector<1x16xf32>,
      %get3A_692 = vector.shape_cast %get3A_691 : vector<1x16xf32> to vector<16xf32>
      %add3A_693 = arith.addf %sub3A_687, %get3A_692 : vector<16xf32>
      %get3A_694 = arith.constant 4 : i32
      %get3A_695 = arith.index_cast %get3A_694 : i32 to index
      %get3A_696 = arith.constant 64 : index
      %get3A_697 = tpu.vector_load %arg4[%get3A_695, %get3A_696] {strides = array<i32>} : memref<208x128xf32, #tpu.memory_space<vmem>>, vector<1x16xf32>,
      %get3A_698 = vector.shape_cast %get3A_697 : vector<1x16xf32> to vector<16xf32>
      %sub3A_699 = arith.subf %add3A_561, %get3A_698 : vector<16xf32>
      %get3A_700 = arith.constant 204 : i32
      %get3A_701 = arith.index_cast %get3A_700 : i32 to index
      %get3A_702 = arith.constant 64 : index
      %get3A_703 = tpu.vector_load %arg4[%get3A_701, %get3A_702] {strides = array<i32>} : memref<208x128xf32, #tpu.memory_space<vmem>>, vector<1x16xf32>,
      %get3A_704 = vector.shape_cast %get3A_703 : vector<1x16xf32> to vector<16xf32>
      %add3A_705 = arith.addf %sub3A_699, %get3A_704 : vector<16xf32>
      %get3A_706 = arith.constant 4 : i32
      %get3A_707 = arith.index_cast %get3A_706 : i32 to index
      %get3A_708 = arith.constant 80 : index
      %get3A_709 = tpu.vector_load %arg4[%get3A_707, %get3A_708] {strides = array<i32>} : memref<208x128xf32, #tpu.memory_space<vmem>>, vector<1x16xf32>,
      %get3A_710 = vector.shape_cast %get3A_709 : vector<1x16xf32> to vector<16xf32>
      %sub3A_711 = arith.subf %add3A_573, %get3A_710 : vector<16xf32>
      %get3A_712 = arith.constant 204 : i32
      %get3A_713 = arith.index_cast %get3A_712 : i32 to index
      %get3A_714 = arith.constant 80 : index
      %get3A_715 = tpu.vector_load %arg4[%get3A_713, %get3A_714] {strides = array<i32>} : memref<208x128xf32, #tpu.memory_space<vmem>>, vector<1x16xf32>,
      %get3A_716 = vector.shape_cast %get3A_715 : vector<1x16xf32> to vector<16xf32>
      %add3A_717 = arith.addf %sub3A_711, %get3A_716 : vector<16xf32>
      %get3A_718 = arith.constant 4 : i32
      %get3A_719 = arith.index_cast %get3A_718 : i32 to index
      %get3A_720 = arith.constant 96 : index
      %get3A_721 = tpu.vector_load %arg4[%get3A_719, %get3A_720] {strides = array<i32>} : memref<208x128xf32, #tpu.memory_space<vmem>>, vector<1x16xf32>,
      %get3A_722 = vector.shape_cast %get3A_721 : vector<1x16xf32> to vector<16xf32>
      %sub3A_723 = arith.subf %add3A_585, %get3A_722 : vector<16xf32>
      %get3A_724 = arith.constant 204 : i32
      %get3A_725 = arith.index_cast %get3A_724 : i32 to index
      %get3A_726 = arith.constant 96 : index
      %get3A_727 = tpu.vector_load %arg4[%get3A_725, %get3A_726] {strides = array<i32>} : memref<208x128xf32, #tpu.memory_space<vmem>>, vector<1x16xf32>,
      %get3A_728 = vector.shape_cast %get3A_727 : vector<1x16xf32> to vector<16xf32>
      %add3A_729 = arith.addf %sub3A_723, %get3A_728 : vector<16xf32>
      %get3A_730 = arith.constant 4 : i32
      %get3A_731 = arith.index_cast %get3A_730 : i32 to index
      %get3A_732 = arith.constant 112 : index
      %get3A_733 = tpu.vector_load %arg4[%get3A_731, %get3A_732] {strides = array<i32>} : memref<208x128xf32, #tpu.memory_space<vmem>>, vector<1x16xf32>,
      %get3A_734 = vector.shape_cast %get3A_733 : vector<1x16xf32> to vector<16xf32>
      %sub3A_735 = arith.subf %add3A_597, %get3A_734 : vector<16xf32>
      %get3A_736 = arith.constant 204 : i32
      %get3A_737 = arith.index_cast %get3A_736 : i32 to index
      %get3A_738 = arith.constant 112 : index
      %get3A_739 = tpu.vector_load %arg4[%get3A_737, %get3A_738] {strides = array<i32>} : memref<208x128xf32, #tpu.memory_space<vmem>>, vector<1x16xf32>,
      %get3A_740 = vector.shape_cast %get3A_739 : vector<1x16xf32> to vector<16xf32>
      %add3A_741 = arith.addf %sub3A_735, %get3A_740 : vector<16xf32>
      %swap3A_742 = arith.constant 5 : i32
      %swap3A_743 = arith.index_cast %swap3A_742 : i32 to index
      %swap3A_744 = arith.constant 0 : index
      %swap3A_745 = tpu.vector_load %arg5[%swap3A_743, %swap3A_744] {strides = array<i32>} : memref<8x128xf32, #tpu.memory_space<vmem>>, vector<1x16xf32>,
      %swap3A_746 = vector.shape_cast %swap3A_745 : vector<1x16xf32> to vector<16xf32>
      %swap3A_747 = vector.shape_cast %add3A_657 : vector<16xf32> to vector<1x16xf32>
      tpu.vector_store %arg5[%swap3A_743, %swap3A_744], %swap3A_747 {strides = array<i32>} : memref<8x128xf32, #tpu.memory_space<vmem>>, vector<1x16xf32>,
      %swap3A_748 = arith.constant 5 : i32
      %swap3A_749 = arith.index_cast %swap3A_748 : i32 to index
      %swap3A_750 = arith.constant 16 : index
      %swap3A_751 = tpu.vector_load %arg5[%swap3A_749, %swap3A_750] {strides = array<i32>} : memref<8x128xf32, #tpu.memory_space<vmem>>, vector<1x16xf32>,
      %swap3A_752 = vector.shape_cast %swap3A_751 : vector<1x16xf32> to vector<16xf32>
      %swap3A_753 = vector.shape_cast %add3A_669 : vector<16xf32> to vector<1x16xf32>
      tpu.vector_store %arg5[%swap3A_749, %swap3A_750], %swap3A_753 {strides = array<i32>} : memref<8x128xf32, #tpu.memory_space<vmem>>, vector<1x16xf32>,
      %swap3A_754 = arith.constant 5 : i32
      %swap3A_755 = arith.index_cast %swap3A_754 : i32 to index
      %swap3A_756 = arith.constant 32 : index
      %swap3A_757 = tpu.vector_load %arg5[%swap3A_755, %swap3A_756] {strides = array<i32>} : memref<8x128xf32, #tpu.memory_space<vmem>>, vector<1x16xf32>,
      %swap3A_758 = vector.shape_cast %swap3A_757 : vector<1x16xf32> to vector<16xf32>
      %swap3A_759 = vector.shape_cast %add3A_681 : vector<16xf32> to vector<1x16xf32>
      tpu.vector_store %arg5[%swap3A_755, %swap3A_756], %swap3A_759 {strides = array<i32>} : memref<8x128xf32, #tpu.memory_space<vmem>>, vector<1x16xf32>,
      %swap3A_760 = arith.constant 5 : i32
      %swap3A_761 = arith.index_cast %swap3A_760 : i32 to index
      %swap3A_762 = arith.constant 48 : index
      %swap3A_763 = tpu.vector_load %arg5[%swap3A_761, %swap3A_762] {strides = array<i32>} : memref<8x128xf32, #tpu.memory_space<vmem>>, vector<1x16xf32>,
      %swap3A_764 = vector.shape_cast %swap3A_763 : vector<1x16xf32> to vector<16xf32>
      %swap3A_765 = vector.shape_cast %add3A_693 : vector<16xf32> to vector<1x16xf32>
      tpu.vector_store %arg5[%swap3A_761, %swap3A_762], %swap3A_765 {strides = array<i32>} : memref<8x128xf32, #tpu.memory_space<vmem>>, vector<1x16xf32>,
      %swap3A_766 = arith.constant 5 : i32
      %swap3A_767 = arith.index_cast %swap3A_766 : i32 to index
      %swap3A_768 = arith.constant 64 : index
      %swap3A_769 = tpu.vector_load %arg5[%swap3A_767, %swap3A_768] {strides = array<i32>} : memref<8x128xf32, #tpu.memory_space<vmem>>, vector<1x16xf32>,
      %swap3A_770 = vector.shape_cast %swap3A_769 : vector<1x16xf32> to vector<16xf32>
      %swap3A_771 = vector.shape_cast %add3A_705 : vector<16xf32> to vector<1x16xf32>
      tpu.vector_store %arg5[%swap3A_767, %swap3A_768], %swap3A_771 {strides = array<i32>} : memref<8x128xf32, #tpu.memory_space<vmem>>, vector<1x16xf32>,
      %swap3A_772 = arith.constant 5 : i32
      %swap3A_773 = arith.index_cast %swap3A_772 : i32 to index
      %swap3A_774 = arith.constant 80 : index
      %swap3A_775 = tpu.vector_load %arg5[%swap3A_773, %swap3A_774] {strides = array<i32>} : memref<8x128xf32, #tpu.memory_space<vmem>>, vector<1x16xf32>,
      %swap3A_776 = vector.shape_cast %swap3A_775 : vector<1x16xf32> to vector<16xf32>
      %swap3A_777 = vector.shape_cast %add3A_717 : vector<16xf32> to vector<1x16xf32>
      tpu.vector_store %arg5[%swap3A_773, %swap3A_774], %swap3A_777 {strides = array<i32>} : memref<8x128xf32, #tpu.memory_space<vmem>>, vector<1x16xf32>,
      %swap3A_778 = arith.constant 5 : i32
      %swap3A_779 = arith.index_cast %swap3A_778 : i32 to index
      %swap3A_780 = arith.constant 96 : index
      %swap3A_781 = tpu.vector_load %arg5[%swap3A_779, %swap3A_780] {strides = array<i32>} : memref<8x128xf32, #tpu.memory_space<vmem>>, vector<1x16xf32>,
      %swap3A_782 = vector.shape_cast %swap3A_781 : vector<1x16xf32> to vector<16xf32>
      %swap3A_783 = vector.shape_cast %add3A_729 : vector<16xf32> to vector<1x16xf32>
      tpu.vector_store %arg5[%swap3A_779, %swap3A_780], %swap3A_783 {strides = array<i32>} : memref<8x128xf32, #tpu.memory_space<vmem>>, vector<1x16xf32>,
      %swap3A_784 = arith.constant 5 : i32
      %swap3A_785 = arith.index_cast %swap3A_784 : i32 to index
      %swap3A_786 = arith.constant 112 : index
      %swap3A_787 = tpu.vector_load %arg5[%swap3A_785, %swap3A_786] {strides = array<i32>} : memref<8x128xf32, #tpu.memory_space<vmem>>, vector<1x16xf32>,
      %swap3A_788 = vector.shape_cast %swap3A_787 : vector<1x16xf32> to vector<16xf32>
      %swap3A_789 = vector.shape_cast %add3A_741 : vector<16xf32> to vector<1x16xf32>
      tpu.vector_store %arg5[%swap3A_785, %swap3A_786], %swap3A_789 {strides = array<i32>} : memref<8x128xf32, #tpu.memory_space<vmem>>, vector<1x16xf32>,
      %get3A_790 = arith.constant 5 : i32
      %get3A_791 = arith.index_cast %get3A_790 : i32 to index
      %get3A_792 = arith.constant 0 : index
      %get3A_793 = tpu.vector_load %arg4[%get3A_791, %get3A_792] {strides = array<i32>} : memref<208x128xf32, #tpu.memory_space<vmem>>, vector<1x16xf32>,
      %get3A_794 = vector.shape_cast %get3A_793 : vector<1x16xf32> to vector<16xf32>
      %sub3A_795 = arith.subf %add3A_657, %get3A_794 : vector<16xf32>
      %get3A_796 = arith.constant 205 : i32
      %get3A_797 = arith.index_cast %get3A_796 : i32 to index
      %get3A_798 = arith.constant 0 : index
      %get3A_799 = tpu.vector_load %arg4[%get3A_797, %get3A_798] {strides = array<i32>} : memref<208x128xf32, #tpu.memory_space<vmem>>, vector<1x16xf32>,
      %get3A_800 = vector.shape_cast %get3A_799 : vector<1x16xf32> to vector<16xf32>
      %add3A_801 = arith.addf %sub3A_795, %get3A_800 : vector<16xf32>
      %get3A_802 = arith.constant 5 : i32
      %get3A_803 = arith.index_cast %get3A_802 : i32 to index
      %get3A_804 = arith.constant 16 : index
      %get3A_805 = tpu.vector_load %arg4[%get3A_803, %get3A_804] {strides = array<i32>} : memref<208x128xf32, #tpu.memory_space<vmem>>, vector<1x16xf32>,
      %get3A_806 = vector.shape_cast %get3A_805 : vector<1x16xf32> to vector<16xf32>
      %sub3A_807 = arith.subf %add3A_669, %get3A_806 : vector<16xf32>
      %get3A_808 = arith.constant 205 : i32
      %get3A_809 = arith.index_cast %get3A_808 : i32 to index
      %get3A_810 = arith.constant 16 : index
      %get3A_811 = tpu.vector_load %arg4[%get3A_809, %get3A_810] {strides = array<i32>} : memref<208x128xf32, #tpu.memory_space<vmem>>, vector<1x16xf32>,
      %get3A_812 = vector.shape_cast %get3A_811 : vector<1x16xf32> to vector<16xf32>
      %add3A_813 = arith.addf %sub3A_807, %get3A_812 : vector<16xf32>
      %get3A_814 = arith.constant 5 : i32
      %get3A_815 = arith.index_cast %get3A_814 : i32 to index
      %get3A_816 = arith.constant 32 : index
      %get3A_817 = tpu.vector_load %arg4[%get3A_815, %get3A_816] {strides = array<i32>} : memref<208x128xf32, #tpu.memory_space<vmem>>, vector<1x16xf32>,
      %get3A_818 = vector.shape_cast %get3A_817 : vector<1x16xf32> to vector<16xf32>
      %sub3A_819 = arith.subf %add3A_681, %get3A_818 : vector<16xf32>
      %get3A_820 = arith.constant 205 : i32
      %get3A_821 = arith.index_cast %get3A_820 : i32 to index
      %get3A_822 = arith.constant 32 : index
      %get3A_823 = tpu.vector_load %arg4[%get3A_821, %get3A_822] {strides = array<i32>} : memref<208x128xf32, #tpu.memory_space<vmem>>, vector<1x16xf32>,
      %get3A_824 = vector.shape_cast %get3A_823 : vector<1x16xf32> to vector<16xf32>
      %add3A_825 = arith.addf %sub3A_819, %get3A_824 : vector<16xf32>
      %get3A_826 = arith.constant 5 : i32
      %get3A_827 = arith.index_cast %get3A_826 : i32 to index
      %get3A_828 = arith.constant 48 : index
      %get3A_829 = tpu.vector_load %arg4[%get3A_827, %get3A_828] {strides = array<i32>} : memref<208x128xf32, #tpu.memory_space<vmem>>, vector<1x16xf32>,
      %get3A_830 = vector.shape_cast %get3A_829 : vector<1x16xf32> to vector<16xf32>
      %sub3A_831 = arith.subf %add3A_693, %get3A_830 : vector<16xf32>
      %get3A_832 = arith.constant 205 : i32
      %get3A_833 = arith.index_cast %get3A_832 : i32 to index
      %get3A_834 = arith.constant 48 : index
      %get3A_835 = tpu.vector_load %arg4[%get3A_833, %get3A_834] {strides = array<i32>} : memref<208x128xf32, #tpu.memory_space<vmem>>, vector<1x16xf32>,
      %get3A_836 = vector.shape_cast %get3A_835 : vector<1x16xf32> to vector<16xf32>
      %add3A_837 = arith.addf %sub3A_831, %get3A_836 : vector<16xf32>
      %get3A_838 = arith.constant 5 : i32
      %get3A_839 = arith.index_cast %get3A_838 : i32 to index
      %get3A_840 = arith.constant 64 : index
      %get3A_841 = tpu.vector_load %arg4[%get3A_839, %get3A_840] {strides = array<i32>} : memref<208x128xf32, #tpu.memory_space<vmem>>, vector<1x16xf32>,
      %get3A_842 = vector.shape_cast %get3A_841 : vector<1x16xf32> to vector<16xf32>
      %sub3A_843 = arith.subf %add3A_705, %get3A_842 : vector<16xf32>
      %get3A_844 = arith.constant 205 : i32
      %get3A_845 = arith.index_cast %get3A_844 : i32 to index
      %get3A_846 = arith.constant 64 : index
      %get3A_847 = tpu.vector_load %arg4[%get3A_845, %get3A_846] {strides = array<i32>} : memref<208x128xf32, #tpu.memory_space<vmem>>, vector<1x16xf32>,
      %get3A_848 = vector.shape_cast %get3A_847 : vector<1x16xf32> to vector<16xf32>
      %add3A_849 = arith.addf %sub3A_843, %get3A_848 : vector<16xf32>
      %get3A_850 = arith.constant 5 : i32
      %get3A_851 = arith.index_cast %get3A_850 : i32 to index
      %get3A_852 = arith.constant 80 : index
      %get3A_853 = tpu.vector_load %arg4[%get3A_851, %get3A_852] {strides = array<i32>} : memref<208x128xf32, #tpu.memory_space<vmem>>, vector<1x16xf32>,
      %get3A_854 = vector.shape_cast %get3A_853 : vector<1x16xf32> to vector<16xf32>
      %sub3A_855 = arith.subf %add3A_717, %get3A_854 : vector<16xf32>
      %get3A_856 = arith.constant 205 : i32
      %get3A_857 = arith.index_cast %get3A_856 : i32 to index
      %get3A_858 = arith.constant 80 : index
      %get3A_859 = tpu.vector_load %arg4[%get3A_857, %get3A_858] {strides = array<i32>} : memref<208x128xf32, #tpu.memory_space<vmem>>, vector<1x16xf32>,
      %get3A_860 = vector.shape_cast %get3A_859 : vector<1x16xf32> to vector<16xf32>
      %add3A_861 = arith.addf %sub3A_855, %get3A_860 : vector<16xf32>
      %get3A_862 = arith.constant 5 : i32
      %get3A_863 = arith.index_cast %get3A_862 : i32 to index
      %get3A_864 = arith.constant 96 : index
      %get3A_865 = tpu.vector_load %arg4[%get3A_863, %get3A_864] {strides = array<i32>} : memref<208x128xf32, #tpu.memory_space<vmem>>, vector<1x16xf32>,
      %get3A_866 = vector.shape_cast %get3A_865 : vector<1x16xf32> to vector<16xf32>
      %sub3A_867 = arith.subf %add3A_729, %get3A_866 : vector<16xf32>
      %get3A_868 = arith.constant 205 : i32
      %get3A_869 = arith.index_cast %get3A_868 : i32 to index
      %get3A_870 = arith.constant 96 : index
      %get3A_871 = tpu.vector_load %arg4[%get3A_869, %get3A_870] {strides = array<i32>} : memref<208x128xf32, #tpu.memory_space<vmem>>, vector<1x16xf32>,
      %get3A_872 = vector.shape_cast %get3A_871 : vector<1x16xf32> to vector<16xf32>
      %add3A_873 = arith.addf %sub3A_867, %get3A_872 : vector<16xf32>
      %get3A_874 = arith.constant 5 : i32
      %get3A_875 = arith.index_cast %get3A_874 : i32 to index
      %get3A_876 = arith.constant 112 : index
      %get3A_877 = tpu.vector_load %arg4[%get3A_875, %get3A_876] {strides = array<i32>} : memref<208x128xf32, #tpu.memory_space<vmem>>, vector<1x16xf32>,
      %get3A_878 = vector.shape_cast %get3A_877 : vector<1x16xf32> to vector<16xf32>
      %sub3A_879 = arith.subf %add3A_741, %get3A_878 : vector<16xf32>
      %get3A_880 = arith.constant 205 : i32
      %get3A_881 = arith.index_cast %get3A_880 : i32 to index
      %get3A_882 = arith.constant 112 : index
      %get3A_883 = tpu.vector_load %arg4[%get3A_881, %get3A_882] {strides = array<i32>} : memref<208x128xf32, #tpu.memory_space<vmem>>, vector<1x16xf32>,
      %get3A_884 = vector.shape_cast %get3A_883 : vector<1x16xf32> to vector<16xf32>
      %add3A_885 = arith.addf %sub3A_879, %get3A_884 : vector<16xf32>
      %swap3A_886 = arith.constant 6 : i32
      %swap3A_887 = arith.index_cast %swap3A_886 : i32 to index
      %swap3A_888 = arith.constant 0 : index
      %swap3A_889 = tpu.vector_load %arg5[%swap3A_887, %swap3A_888] {strides = array<i32>} : memref<8x128xf32, #tpu.memory_space<vmem>>, vector<1x16xf32>,
      %swap3A_890 = vector.shape_cast %swap3A_889 : vector<1x16xf32> to vector<16xf32>
      %swap3A_891 = vector.shape_cast %add3A_801 : vector<16xf32> to vector<1x16xf32>
      tpu.vector_store %arg5[%swap3A_887, %swap3A_888], %swap3A_891 {strides = array<i32>} : memref<8x128xf32, #tpu.memory_space<vmem>>, vector<1x16xf32>,
      %swap3A_892 = arith.constant 6 : i32
      %swap3A_893 = arith.index_cast %swap3A_892 : i32 to index
      %swap3A_894 = arith.constant 16 : index
      %swap3A_895 = tpu.vector_load %arg5[%swap3A_893, %swap3A_894] {strides = array<i32>} : memref<8x128xf32, #tpu.memory_space<vmem>>, vector<1x16xf32>,
      %swap3A_896 = vector.shape_cast %swap3A_895 : vector<1x16xf32> to vector<16xf32>
      %swap3A_897 = vector.shape_cast %add3A_813 : vector<16xf32> to vector<1x16xf32>
      tpu.vector_store %arg5[%swap3A_893, %swap3A_894], %swap3A_897 {strides = array<i32>} : memref<8x128xf32, #tpu.memory_space<vmem>>, vector<1x16xf32>,
      %swap3A_898 = arith.constant 6 : i32
      %swap3A_899 = arith.index_cast %swap3A_898 : i32 to index
      %swap3A_900 = arith.constant 32 : index
      %swap3A_901 = tpu.vector_load %arg5[%swap3A_899, %swap3A_900] {strides = array<i32>} : memref<8x128xf32, #tpu.memory_space<vmem>>, vector<1x16xf32>,
      %swap3A_902 = vector.shape_cast %swap3A_901 : vector<1x16xf32> to vector<16xf32>
      %swap3A_903 = vector.shape_cast %add3A_825 : vector<16xf32> to vector<1x16xf32>
      tpu.vector_store %arg5[%swap3A_899, %swap3A_900], %swap3A_903 {strides = array<i32>} : memref<8x128xf32, #tpu.memory_space<vmem>>, vector<1x16xf32>,
      %swap3A_904 = arith.constant 6 : i32
      %swap3A_905 = arith.index_cast %swap3A_904 : i32 to index
      %swap3A_906 = arith.constant 48 : index
      %swap3A_907 = tpu.vector_load %arg5[%swap3A_905, %swap3A_906] {strides = array<i32>} : memref<8x128xf32, #tpu.memory_space<vmem>>, vector<1x16xf32>,
      %swap3A_908 = vector.shape_cast %swap3A_907 : vector<1x16xf32> to vector<16xf32>
      %swap3A_909 = vector.shape_cast %add3A_837 : vector<16xf32> to vector<1x16xf32>
      tpu.vector_store %arg5[%swap3A_905, %swap3A_906], %swap3A_909 {strides = array<i32>} : memref<8x128xf32, #tpu.memory_space<vmem>>, vector<1x16xf32>,
      %swap3A_910 = arith.constant 6 : i32
      %swap3A_911 = arith.index_cast %swap3A_910 : i32 to index
      %swap3A_912 = arith.constant 64 : index
      %swap3A_913 = tpu.vector_load %arg5[%swap3A_911, %swap3A_912] {strides = array<i32>} : memref<8x128xf32, #tpu.memory_space<vmem>>, vector<1x16xf32>,
      %swap3A_914 = vector.shape_cast %swap3A_913 : vector<1x16xf32> to vector<16xf32>
      %swap3A_915 = vector.shape_cast %add3A_849 : vector<16xf32> to vector<1x16xf32>
      tpu.vector_store %arg5[%swap3A_911, %swap3A_912], %swap3A_915 {strides = array<i32>} : memref<8x128xf32, #tpu.memory_space<vmem>>, vector<1x16xf32>,
      %swap3A_916 = arith.constant 6 : i32
      %swap3A_917 = arith.index_cast %swap3A_916 : i32 to index
      %swap3A_918 = arith.constant 80 : index
      %swap3A_919 = tpu.vector_load %arg5[%swap3A_917, %swap3A_918] {strides = array<i32>} : memref<8x128xf32, #tpu.memory_space<vmem>>, vector<1x16xf32>,
      %swap3A_920 = vector.shape_cast %swap3A_919 : vector<1x16xf32> to vector<16xf32>
      %swap3A_921 = vector.shape_cast %add3A_861 : vector<16xf32> to vector<1x16xf32>
      tpu.vector_store %arg5[%swap3A_917, %swap3A_918], %swap3A_921 {strides = array<i32>} : memref<8x128xf32, #tpu.memory_space<vmem>>, vector<1x16xf32>,
      %swap3A_922 = arith.constant 6 : i32
      %swap3A_923 = arith.index_cast %swap3A_922 : i32 to index
      %swap3A_924 = arith.constant 96 : index
      %swap3A_925 = tpu.vector_load %arg5[%swap3A_923, %swap3A_924] {strides = array<i32>} : memref<8x128xf32, #tpu.memory_space<vmem>>, vector<1x16xf32>,
      %swap3A_926 = vector.shape_cast %swap3A_925 : vector<1x16xf32> to vector<16xf32>
      %swap3A_927 = vector.shape_cast %add3A_873 : vector<16xf32> to vector<1x16xf32>
      tpu.vector_store %arg5[%swap3A_923, %swap3A_924], %swap3A_927 {strides = array<i32>} : memref<8x128xf32, #tpu.memory_space<vmem>>, vector<1x16xf32>,
      %swap3A_928 = arith.constant 6 : i32
      %swap3A_929 = arith.index_cast %swap3A_928 : i32 to index
      %swap3A_930 = arith.constant 112 : index
      %swap3A_931 = tpu.vector_load %arg5[%swap3A_929, %swap3A_930] {strides = array<i32>} : memref<8x128xf32, #tpu.memory_space<vmem>>, vector<1x16xf32>,
      %swap3A_932 = vector.shape_cast %swap3A_931 : vector<1x16xf32> to vector<16xf32>
      %swap3A_933 = vector.shape_cast %add3A_885 : vector<16xf32> to vector<1x16xf32>
      tpu.vector_store %arg5[%swap3A_929, %swap3A_930], %swap3A_933 {strides = array<i32>} : memref<8x128xf32, #tpu.memory_space<vmem>>, vector<1x16xf32>,
      %get3A_934 = arith.constant 6 : i32
      %get3A_935 = arith.index_cast %get3A_934 : i32 to index
      %get3A_936 = arith.constant 0 : index
      %get3A_937 = tpu.vector_load %arg4[%get3A_935, %get3A_936] {strides = array<i32>} : memref<208x128xf32, #tpu.memory_space<vmem>>, vector<1x16xf32>,
      %get3A_938 = vector.shape_cast %get3A_937 : vector<1x16xf32> to vector<16xf32>
      %sub3A_939 = arith.subf %add3A_801, %get3A_938 : vector<16xf32>
      %get3A_940 = arith.constant 206 : i32
      %get3A_941 = arith.index_cast %get3A_940 : i32 to index
      %get3A_942 = arith.constant 0 : index
      %get3A_943 = tpu.vector_load %arg4[%get3A_941, %get3A_942] {strides = array<i32>} : memref<208x128xf32, #tpu.memory_space<vmem>>, vector<1x16xf32>,
      %get3A_944 = vector.shape_cast %get3A_943 : vector<1x16xf32> to vector<16xf32>
      %add3A_945 = arith.addf %sub3A_939, %get3A_944 : vector<16xf32>
      %get3A_946 = arith.constant 6 : i32
      %get3A_947 = arith.index_cast %get3A_946 : i32 to index
      %get3A_948 = arith.constant 16 : index
      %get3A_949 = tpu.vector_load %arg4[%get3A_947, %get3A_948] {strides = array<i32>} : memref<208x128xf32, #tpu.memory_space<vmem>>, vector<1x16xf32>,
      %get3A_950 = vector.shape_cast %get3A_949 : vector<1x16xf32> to vector<16xf32>
      %sub3A_951 = arith.subf %add3A_813, %get3A_950 : vector<16xf32>
      %get3A_952 = arith.constant 206 : i32
      %get3A_953 = arith.index_cast %get3A_952 : i32 to index
      %get3A_954 = arith.constant 16 : index
      %get3A_955 = tpu.vector_load %arg4[%get3A_953, %get3A_954] {strides = array<i32>} : memref<208x128xf32, #tpu.memory_space<vmem>>, vector<1x16xf32>,
      %get3A_956 = vector.shape_cast %get3A_955 : vector<1x16xf32> to vector<16xf32>
      %add3A_957 = arith.addf %sub3A_951, %get3A_956 : vector<16xf32>
      %get3A_958 = arith.constant 6 : i32
      %get3A_959 = arith.index_cast %get3A_958 : i32 to index
      %get3A_960 = arith.constant 32 : index
      %get3A_961 = tpu.vector_load %arg4[%get3A_959, %get3A_960] {strides = array<i32>} : memref<208x128xf32, #tpu.memory_space<vmem>>, vector<1x16xf32>,
      %get3A_962 = vector.shape_cast %get3A_961 : vector<1x16xf32> to vector<16xf32>
      %sub3A_963 = arith.subf %add3A_825, %get3A_962 : vector<16xf32>
      %get3A_964 = arith.constant 206 : i32
      %get3A_965 = arith.index_cast %get3A_964 : i32 to index
      %get3A_966 = arith.constant 32 : index
      %get3A_967 = tpu.vector_load %arg4[%get3A_965, %get3A_966] {strides = array<i32>} : memref<208x128xf32, #tpu.memory_space<vmem>>, vector<1x16xf32>,
      %get3A_968 = vector.shape_cast %get3A_967 : vector<1x16xf32> to vector<16xf32>
      %add3A_969 = arith.addf %sub3A_963, %get3A_968 : vector<16xf32>
      %get3A_970 = arith.constant 6 : i32
      %get3A_971 = arith.index_cast %get3A_970 : i32 to index
      %get3A_972 = arith.constant 48 : index
      %get3A_973 = tpu.vector_load %arg4[%get3A_971, %get3A_972] {strides = array<i32>} : memref<208x128xf32, #tpu.memory_space<vmem>>, vector<1x16xf32>,
      %get3A_974 = vector.shape_cast %get3A_973 : vector<1x16xf32> to vector<16xf32>
      %sub3A_975 = arith.subf %add3A_837, %get3A_974 : vector<16xf32>
      %get3A_976 = arith.constant 206 : i32
      %get3A_977 = arith.index_cast %get3A_976 : i32 to index
      %get3A_978 = arith.constant 48 : index
      %get3A_979 = tpu.vector_load %arg4[%get3A_977, %get3A_978] {strides = array<i32>} : memref<208x128xf32, #tpu.memory_space<vmem>>, vector<1x16xf32>,
      %get3A_980 = vector.shape_cast %get3A_979 : vector<1x16xf32> to vector<16xf32>
      %add3A_981 = arith.addf %sub3A_975, %get3A_980 : vector<16xf32>
      %get3A_982 = arith.constant 6 : i32
      %get3A_983 = arith.index_cast %get3A_982 : i32 to index
      %get3A_984 = arith.constant 64 : index
      %get3A_985 = tpu.vector_load %arg4[%get3A_983, %get3A_984] {strides = array<i32>} : memref<208x128xf32, #tpu.memory_space<vmem>>, vector<1x16xf32>,
      %get3A_986 = vector.shape_cast %get3A_985 : vector<1x16xf32> to vector<16xf32>
      %sub3A_987 = arith.subf %add3A_849, %get3A_986 : vector<16xf32>
      %get3A_988 = arith.constant 206 : i32
      %get3A_989 = arith.index_cast %get3A_988 : i32 to index
      %get3A_990 = arith.constant 64 : index
      %get3A_991 = tpu.vector_load %arg4[%get3A_989, %get3A_990] {strides = array<i32>} : memref<208x128xf32, #tpu.memory_space<vmem>>, vector<1x16xf32>,
      %get3A_992 = vector.shape_cast %get3A_991 : vector<1x16xf32> to vector<16xf32>
      %add3A_993 = arith.addf %sub3A_987, %get3A_992 : vector<16xf32>
      %get3A_994 = arith.constant 6 : i32
      %get3A_995 = arith.index_cast %get3A_994 : i32 to index
      %get3A_996 = arith.constant 80 : index
      %get3A_997 = tpu.vector_load %arg4[%get3A_995, %get3A_996] {strides = array<i32>} : memref<208x128xf32, #tpu.memory_space<vmem>>, vector<1x16xf32>,
      %get3A_998 = vector.shape_cast %get3A_997 : vector<1x16xf32> to vector<16xf32>
      %sub3A_999 = arith.subf %add3A_861, %get3A_998 : vector<16xf32>
      %get3A_1000 = arith.constant 206 : i32
      %get3A_1001 = arith.index_cast %get3A_1000 : i32 to index
      %get3A_1002 = arith.constant 80 : index
      %get3A_1003 = tpu.vector_load %arg4[%get3A_1001, %get3A_1002] {strides = array<i32>} : memref<208x128xf32, #tpu.memory_space<vmem>>, vector<1x16xf32>,
      %get3A_1004 = vector.shape_cast %get3A_1003 : vector<1x16xf32> to vector<16xf32>
      %add3A_1005 = arith.addf %sub3A_999, %get3A_1004 : vector<16xf32>
      %get3A_1006 = arith.constant 6 : i32
      %get3A_1007 = arith.index_cast %get3A_1006 : i32 to index
      %get3A_1008 = arith.constant 96 : index
      %get3A_1009 = tpu.vector_load %arg4[%get3A_1007, %get3A_1008] {strides = array<i32>} : memref<208x128xf32, #tpu.memory_space<vmem>>, vector<1x16xf32>,
      %get3A_1010 = vector.shape_cast %get3A_1009 : vector<1x16xf32> to vector<16xf32>
      %sub3A_1011 = arith.subf %add3A_873, %get3A_1010 : vector<16xf32>
      %get3A_1012 = arith.constant 206 : i32
      %get3A_1013 = arith.index_cast %get3A_1012 : i32 to index
      %get3A_1014 = arith.constant 96 : index
      %get3A_1015 = tpu.vector_load %arg4[%get3A_1013, %get3A_1014] {strides = array<i32>} : memref<208x128xf32, #tpu.memory_space<vmem>>, vector<1x16xf32>,
      %get3A_1016 = vector.shape_cast %get3A_1015 : vector<1x16xf32> to vector<16xf32>
      %add3A_1017 = arith.addf %sub3A_1011, %get3A_1016 : vector<16xf32>
      %get3A_1018 = arith.constant 6 : i32
      %get3A_1019 = arith.index_cast %get3A_1018 : i32 to index
      %get3A_1020 = arith.constant 112 : index
      %get3A_1021 = tpu.vector_load %arg4[%get3A_1019, %get3A_1020] {strides = array<i32>} : memref<208x128xf32, #tpu.memory_space<vmem>>, vector<1x16xf32>,
      %get3A_1022 = vector.shape_cast %get3A_1021 : vector<1x16xf32> to vector<16xf32>
      %sub3A_1023 = arith.subf %add3A_885, %get3A_1022 : vector<16xf32>
      %get3A_1024 = arith.constant 206 : i32
      %get3A_1025 = arith.index_cast %get3A_1024 : i32 to index
      %get3A_1026 = arith.constant 112 : index
      %get3A_1027 = tpu.vector_load %arg4[%get3A_1025, %get3A_1026] {strides = array<i32>} : memref<208x128xf32, #tpu.memory_space<vmem>>, vector<1x16xf32>,
      %get3A_1028 = vector.shape_cast %get3A_1027 : vector<1x16xf32> to vector<16xf32>
      %add3A_1029 = arith.addf %sub3A_1023, %get3A_1028 : vector<16xf32>
      %swap3A_1030 = arith.constant 7 : i32
      %swap3A_1031 = arith.index_cast %swap3A_1030 : i32 to index
      %swap3A_1032 = arith.constant 0 : index
      %swap3A_1033 = tpu.vector_load %arg5[%swap3A_1031, %swap3A_1032] {strides = array<i32>} : memref<8x128xf32, #tpu.memory_space<vmem>>, vector<1x16xf32>,
      %swap3A_1034 = vector.shape_cast %swap3A_1033 : vector<1x16xf32> to vector<16xf32>
      %swap3A_1035 = vector.shape_cast %add3A_945 : vector<16xf32> to vector<1x16xf32>
      tpu.vector_store %arg5[%swap3A_1031, %swap3A_1032], %swap3A_1035 {strides = array<i32>} : memref<8x128xf32, #tpu.memory_space<vmem>>, vector<1x16xf32>,
      %swap3A_1036 = arith.constant 7 : i32
      %swap3A_1037 = arith.index_cast %swap3A_1036 : i32 to index
      %swap3A_1038 = arith.constant 16 : index
      %swap3A_1039 = tpu.vector_load %arg5[%swap3A_1037, %swap3A_1038] {strides = array<i32>} : memref<8x128xf32, #tpu.memory_space<vmem>>, vector<1x16xf32>,
      %swap3A_1040 = vector.shape_cast %swap3A_1039 : vector<1x16xf32> to vector<16xf32>
      %swap3A_1041 = vector.shape_cast %add3A_957 : vector<16xf32> to vector<1x16xf32>
      tpu.vector_store %arg5[%swap3A_1037, %swap3A_1038], %swap3A_1041 {strides = array<i32>} : memref<8x128xf32, #tpu.memory_space<vmem>>, vector<1x16xf32>,
      %swap3A_1042 = arith.constant 7 : i32
      %swap3A_1043 = arith.index_cast %swap3A_1042 : i32 to index
      %swap3A_1044 = arith.constant 32 : index
      %swap3A_1045 = tpu.vector_load %arg5[%swap3A_1043, %swap3A_1044] {strides = array<i32>} : memref<8x128xf32, #tpu.memory_space<vmem>>, vector<1x16xf32>,
      %swap3A_1046 = vector.shape_cast %swap3A_1045 : vector<1x16xf32> to vector<16xf32>
      %swap3A_1047 = vector.shape_cast %add3A_969 : vector<16xf32> to vector<1x16xf32>
      tpu.vector_store %arg5[%swap3A_1043, %swap3A_1044], %swap3A_1047 {strides = array<i32>} : memref<8x128xf32, #tpu.memory_space<vmem>>, vector<1x16xf32>,
      %swap3A_1048 = arith.constant 7 : i32
      %swap3A_1049 = arith.index_cast %swap3A_1048 : i32 to index
      %swap3A_1050 = arith.constant 48 : index
      %swap3A_1051 = tpu.vector_load %arg5[%swap3A_1049, %swap3A_1050] {strides = array<i32>} : memref<8x128xf32, #tpu.memory_space<vmem>>, vector<1x16xf32>,
      %swap3A_1052 = vector.shape_cast %swap3A_1051 : vector<1x16xf32> to vector<16xf32>
      %swap3A_1053 = vector.shape_cast %add3A_981 : vector<16xf32> to vector<1x16xf32>
      tpu.vector_store %arg5[%swap3A_1049, %swap3A_1050], %swap3A_1053 {strides = array<i32>} : memref<8x128xf32, #tpu.memory_space<vmem>>, vector<1x16xf32>,
      %swap3A_1054 = arith.constant 7 : i32
      %swap3A_1055 = arith.index_cast %swap3A_1054 : i32 to index
      %swap3A_1056 = arith.constant 64 : index
      %swap3A_1057 = tpu.vector_load %arg5[%swap3A_1055, %swap3A_1056] {strides = array<i32>} : memref<8x128xf32, #tpu.memory_space<vmem>>, vector<1x16xf32>,
      %swap3A_1058 = vector.shape_cast %swap3A_1057 : vector<1x16xf32> to vector<16xf32>
      %swap3A_1059 = vector.shape_cast %add3A_993 : vector<16xf32> to vector<1x16xf32>
      tpu.vector_store %arg5[%swap3A_1055, %swap3A_1056], %swap3A_1059 {strides = array<i32>} : memref<8x128xf32, #tpu.memory_space<vmem>>, vector<1x16xf32>,
      %swap3A_1060 = arith.constant 7 : i32
      %swap3A_1061 = arith.index_cast %swap3A_1060 : i32 to index
      %swap3A_1062 = arith.constant 80 : index
      %swap3A_1063 = tpu.vector_load %arg5[%swap3A_1061, %swap3A_1062] {strides = array<i32>} : memref<8x128xf32, #tpu.memory_space<vmem>>, vector<1x16xf32>,
      %swap3A_1064 = vector.shape_cast %swap3A_1063 : vector<1x16xf32> to vector<16xf32>
      %swap3A_1065 = vector.shape_cast %add3A_1005 : vector<16xf32> to vector<1x16xf32>
      tpu.vector_store %arg5[%swap3A_1061, %swap3A_1062], %swap3A_1065 {strides = array<i32>} : memref<8x128xf32, #tpu.memory_space<vmem>>, vector<1x16xf32>,
      %swap3A_1066 = arith.constant 7 : i32
      %swap3A_1067 = arith.index_cast %swap3A_1066 : i32 to index
      %swap3A_1068 = arith.constant 96 : index
      %swap3A_1069 = tpu.vector_load %arg5[%swap3A_1067, %swap3A_1068] {strides = array<i32>} : memref<8x128xf32, #tpu.memory_space<vmem>>, vector<1x16xf32>,
      %swap3A_1070 = vector.shape_cast %swap3A_1069 : vector<1x16xf32> to vector<16xf32>
      %swap3A_1071 = vector.shape_cast %add3A_1017 : vector<16xf32> to vector<1x16xf32>
      tpu.vector_store %arg5[%swap3A_1067, %swap3A_1068], %swap3A_1071 {strides = array<i32>} : memref<8x128xf32, #tpu.memory_space<vmem>>, vector<1x16xf32>,
      %swap3A_1072 = arith.constant 7 : i32
      %swap3A_1073 = arith.index_cast %swap3A_1072 : i32 to index
      %swap3A_1074 = arith.constant 112 : index
      %swap3A_1075 = tpu.vector_load %arg5[%swap3A_1073, %swap3A_1074] {strides = array<i32>} : memref<8x128xf32, #tpu.memory_space<vmem>>, vector<1x16xf32>,
      %swap3A_1076 = vector.shape_cast %swap3A_1075 : vector<1x16xf32> to vector<16xf32>
      %swap3A_1077 = vector.shape_cast %add3A_1029 : vector<16xf32> to vector<1x16xf32>
      tpu.vector_store %arg5[%swap3A_1073, %swap3A_1074], %swap3A_1077 {strides = array<i32>} : memref<8x128xf32, #tpu.memory_space<vmem>>, vector<1x16xf32>,
      "tpu.region"() ({
        %run_scoped3A = tpu.sem_alloc : memref<!tpu.dma_semaphore, #tpu.memory_space<semaphore_mem>>
        %dma_start3A = arith.constant 0 : i32
        %dma_start3A_1078 = tpu.memref_slice %arg3[%mul3A_4, %dma_start3A] : memref<200x128xf32, #tpu.memory_space<hbm>> -> memref<8x128xf32, #tpu.memory_space<hbm>>
        %dma_start3A_1079 = arith.constant 0 : i32
        %dma_start3A_1080 = tpu.memref_slice %arg3[%mul3A_4, %dma_start3A_1079] : memref<200x128xf32, #tpu.memory_space<hbm>> -> memref<8x128xf32, #tpu.memory_space<hbm>>
        tpu.enqueue_dma source(%arg5 : memref<8x128xf32, #tpu.memory_space<vmem>>) target(%dma_start3A_1080 : memref<8x128xf32, #tpu.memory_space<hbm>>) target_semaphore(%run_scoped3A : memref<!tpu.dma_semaphore, #tpu.memory_space<semaphore_mem>>)
        %dma_wait3A = arith.constant 0 : i32
        %dma_wait3A_1081 = tpu.memref_slice %arg3[%mul3A_4, %dma_wait3A] : memref<200x128xf32, #tpu.memory_space<hbm>> -> memref<8x128xf32, #tpu.memory_space<hbm>>
        %dma_wait3A_1082 = arith.constant 0 : i32
        %dma_wait3A_1083 = tpu.memref_slice %arg3[%mul3A_4, %dma_wait3A_1082] : memref<200x128xf32, #tpu.memory_space<hbm>> -> memref<8x128xf32, #tpu.memory_space<hbm>>
        tpu.wait_dma2 semaphore(%run_scoped3A : memref<!tpu.dma_semaphore, #tpu.memory_space<semaphore_mem>>) src(%arg5 : memref<8x128xf32, #tpu.memory_space<vmem>>) dst(%dma_wait3A_1083 : memref<8x128xf32, #tpu.memory_space<hbm>>)
        tpu.yield
      }) : () -> ()
    } else {
    }
    return
  }
}

module attributes {stable_mosaic.version = 14 : i64} {
  func.func @_tc_body(%arg0: i32, %arg1: memref<1x1024xi32, #tpu.memory_space<vmem>>, %arg2: memref<10x1024x128xf32, #tpu.memory_space<vmem>>, %arg3: memref<1x10x128xf32, #tpu.memory_space<vmem>>, %arg4: memref<3x128xf32, #tpu.memory_space<vmem>>, %arg5: memref<10x1024x128xf32, #tpu.memory_space<vmem>>) attributes {dimension_semantics = [#tpu.dimension_semantics<arbitrary>], iteration_bounds = array<i64: 20>, scalar_prefetch = 0 : i64, scratch_operands = 0 : i64, tpu.core_type = #tpu.core_type<tc>, window_params = [{pipeline_mode = #tpu.pipeline_mode<synchronous>, transform_indices = @transform_0, window_bounds = array<i64: 1, 1024>}, {transform_indices = @transform_1, window_bounds = array<i64: 10, 1024, 128>}, {transform_indices = @transform_2, window_bounds = array<i64: 1, 10, 128>}, {pipeline_mode = #tpu.pipeline_mode<synchronous>, transform_indices = @transform_3, window_bounds = array<i64: 3, 128>}, {transform_indices = @transform_4, window_bounds = array<i64: 10, 1024, 128>}]} {
    %mul3A = arith.constant 10 : i32
    %mul3A_0 = arith.muli %arg0, %mul3A : i32
    %get3A = arith.constant 0 : index
    %get3A_1 = arith.constant 0 : index
    %get3A_2 = vector.load %arg1[%get3A, %get3A_1] : memref<1x1024xi32, #tpu.memory_space<vmem>>, vector<1x1024xi32>
    %get3A_3 = vector.shape_cast %get3A_2 : vector<1x1024xi32> to vector<1024xi32>
    %broadcast_in_dim3A = vector.shape_cast %get3A_3 : vector<1024xi32> to vector<1x1024x1xi32>
    %iota3A = tpu.iota {dimensions = array<i32: 0>} : vector<10x1024x1xi32>
    %add3A = vector.broadcast %mul3A_0 : i32 to vector<10x1024x1xi32>
    %add3A_4 = arith.addi %iota3A, %add3A : vector<10x1024x1xi32>
    %get3A_5 = arith.constant 0 : index
    %get3A_6 = arith.constant 0 : index
    %get3A_7 = vector.load %arg4[%get3A_5, %get3A_6] : memref<3x128xf32, #tpu.memory_space<vmem>>, vector<1x128xf32>
    %get3A_8 = vector.shape_cast %get3A_7 : vector<1x128xf32> to vector<128xf32>
    %broadcast_in_dim3A_9 = vector.shape_cast %get3A_8 : vector<128xf32> to vector<1x1x128xf32>
    %get3A_10 = arith.constant 1 : index
    %get3A_11 = arith.constant 0 : index
    %get3A_12 = vector.load %arg4[%get3A_10, %get3A_11] : memref<3x128xf32, #tpu.memory_space<vmem>>, vector<1x128xf32>
    %get3A_13 = vector.shape_cast %get3A_12 : vector<1x128xf32> to vector<128xf32>
    %broadcast_in_dim3A_14 = vector.shape_cast %get3A_13 : vector<128xf32> to vector<1x1x128xf32>
    %get3A_15 = arith.constant 2 : index
    %get3A_16 = arith.constant 0 : index
    %get3A_17 = vector.load %arg4[%get3A_15, %get3A_16] : memref<3x128xf32, #tpu.memory_space<vmem>>, vector<1x128xf32>
    %get3A_18 = vector.shape_cast %get3A_17 : vector<1x128xf32> to vector<128xf32>
    %broadcast_in_dim3A_19 = vector.shape_cast %get3A_18 : vector<128xf32> to vector<1x1x128xf32>
    %lt3A = vector.broadcast %broadcast_in_dim3A : vector<1x1024x1xi32> to vector<10x1024x1xi32>
    %lt3A_20 = arith.cmpi slt, %add3A_4, %lt3A : vector<10x1024x1xi32>
    %eq3A = vector.broadcast %broadcast_in_dim3A : vector<1x1024x1xi32> to vector<10x1024x1xi32>
    %eq3A_21 = arith.cmpi eq, %add3A_4, %eq3A : vector<10x1024x1xi32>
    %broadcast_in_dim3A_22 = vector.shape_cast %eq3A_21 : vector<10x1024x1xi1> to vector<10x1024x1xi1>
    %broadcast_in_dim3A_23 = vector.broadcast %broadcast_in_dim3A_22 : vector<10x1024x1xi1> to vector<10x1024x128xi1>
    %broadcast_in_dim3A_24 = vector.shape_cast %broadcast_in_dim3A_14 : vector<1x1x128xf32> to vector<1x1x128xf32>
    %broadcast_in_dim3A_25 = vector.broadcast %broadcast_in_dim3A_24 : vector<1x1x128xf32> to vector<10x1024x128xf32>
    %broadcast_in_dim3A_26 = vector.shape_cast %broadcast_in_dim3A_19 : vector<1x1x128xf32> to vector<1x1x128xf32>
    %broadcast_in_dim3A_27 = vector.broadcast %broadcast_in_dim3A_26 : vector<1x1x128xf32> to vector<10x1024x128xf32>
    %select_n3A = arith.select %broadcast_in_dim3A_23, %broadcast_in_dim3A_25, %broadcast_in_dim3A_27 : vector<10x1024x128xi1>, vector<10x1024x128xf32>
    %broadcast_in_dim3A_28 = vector.shape_cast %lt3A_20 : vector<10x1024x1xi1> to vector<10x1024x1xi1>
    %broadcast_in_dim3A_29 = vector.broadcast %broadcast_in_dim3A_28 : vector<10x1024x1xi1> to vector<10x1024x128xi1>
    %broadcast_in_dim3A_30 = vector.shape_cast %broadcast_in_dim3A_9 : vector<1x1x128xf32> to vector<1x1x128xf32>
    %broadcast_in_dim3A_31 = vector.broadcast %broadcast_in_dim3A_30 : vector<1x1x128xf32> to vector<10x1024x128xf32>
    %select_n3A_32 = arith.select %broadcast_in_dim3A_29, %broadcast_in_dim3A_31, %select_n3A : vector<10x1024x128xi1>, vector<10x1024x128xf32>
    %get3A_33 = arith.constant 0 : index
    %get3A_34 = arith.constant 0 : index
    %get3A_35 = arith.constant 0 : index
    %get3A_36 = vector.load %arg2[%get3A_33, %get3A_34, %get3A_35] : memref<10x1024x128xf32, #tpu.memory_space<vmem>>, vector<10x1024x128xf32>
    %add3A_37 = arith.addf %get3A_36, %select_n3A_32 : vector<10x1024x128xf32>
    %get3A_38 = arith.constant 0 : index
    %get3A_39 = arith.constant 0 : index
    %get3A_40 = arith.constant 0 : index
    %get3A_41 = vector.load %arg3[%get3A_38, %get3A_39, %get3A_40] : memref<1x10x128xf32, #tpu.memory_space<vmem>>, vector<1x10x128xf32>
    %get3A_42 = vector.shape_cast %get3A_41 : vector<1x10x128xf32> to vector<10x128xf32>
    %broadcast_in_dim3A_43 = vector.shape_cast %get3A_42 : vector<10x128xf32> to vector<10x1x128xf32>
    %add3A_44 = vector.broadcast %broadcast_in_dim3A_43 : vector<10x1x128xf32> to vector<10x1024x128xf32>
    %add3A_45 = arith.addf %add3A_37, %add3A_44 : vector<10x1024x128xf32>
    %swap3A = arith.constant 0 : index
    %swap3A_46 = arith.constant 0 : index
    %swap3A_47 = arith.constant 0 : index
    %swap3A_48 = vector.load %arg5[%swap3A, %swap3A_46, %swap3A_47] : memref<10x1024x128xf32, #tpu.memory_space<vmem>>, vector<10x1024x128xf32>
    tpu.vector_store %arg5[%swap3A, %swap3A_46, %swap3A_47], %add3A_45 {strides = array<i32>} : memref<10x1024x128xf32, #tpu.memory_space<vmem>>, vector<10x1024x128xf32>,
    return
  }
  func.func @transform_0(%arg0: i32) -> (i32, i32) {
    %c0_i32 = arith.constant 0 : i32
    %c0_i32_0 = arith.constant 0 : i32
    %c0_i32_1 = arith.constant 0 : i32
    return %c0_i32, %c0_i32_0 : i32, i32
  }
  func.func @transform_1(%arg0: i32) -> (i32, i32, i32) {
    %c0_i32 = arith.constant 0 : i32
    %c0_i32_0 = arith.constant 0 : i32
    %c0_i32_1 = arith.constant 0 : i32
    return %arg0, %c0_i32, %c0_i32_0 : i32, i32, i32
  }
  func.func @transform_2(%arg0: i32) -> (i32, i32, i32) {
    %c0_i32 = arith.constant 0 : i32
    %c0_i32_0 = arith.constant 0 : i32
    %c0_i32_1 = arith.constant 0 : i32
    return %arg0, %c0_i32, %c0_i32_0 : i32, i32, i32
  }
  func.func @transform_3(%arg0: i32) -> (i32, i32) {
    %c0_i32 = arith.constant 0 : i32
    %c0_i32_0 = arith.constant 0 : i32
    %c0_i32_1 = arith.constant 0 : i32
    return %c0_i32, %c0_i32_0 : i32, i32
  }
  func.func @transform_4(%arg0: i32) -> (i32, i32, i32) {
    %c0_i32 = arith.constant 0 : i32
    %c0_i32_0 = arith.constant 0 : i32
    %c0_i32_1 = arith.constant 0 : i32
    return %arg0, %c0_i32, %c0_i32_0 : i32, i32, i32
  }
}

</mosaic_0001>

<sc_bundles>
// kernel: kernel.4.cloned.1.call-start
scs
__scs_entry_jumppad:
0x0: {  	(pc) =	sbr.rel $0x88, $3  }
0x1: {  	(tag) =	ssettag $0x0;
	lr =	simm.s32 $0x1  }
0x2: {  	[smem:$0x3F9D] =	sst lr;
	_ =	strace $0xD0000000  }
0x3: {  	_ = 	snop  }
0x4: {  	_ = 	snop  }
0x5: {  	_ = 	snop  }
0x6: {  	_ = 	snop  }
0x7: {  	_ = 	snop  }
__scs_overlays_trampoline_lowered:
0x8: {  	[smem:$0x3FAC] =	sst s0  }
0x9: {  	[smem:$0x3FAD] =	sst s1  }
0xa: {  	[smem:$0x3FAE] =	sst s2  }
0xb: {  	[smem:$0x3FAF] =	sst s3  }
0xc: {  	[smem:$0x3FB0] =	sst s4  }
0xd: {  	[smem:$0x3FB1] =	sst s5  }
0xe: {  	[smem:$0x3FB2] =	sst s6  }
0xf: {  	[smem:$0x3FB3] =	sst s7  }
0x10: {  	[smem:$0x3FB4] =	sst s8  }
0x11: {  	[smem:$0x3FB5] =	sst s9;
	s0 =	simm.s32 @!p0 $0x0  }
0x12: {  	s1 =	sld [smem:$0x3F9B];
	s0 =	simm.s32 @p0 $0x1  }
0x13: {  	[smem:$0x3FB6] =	sst s0;
	s0 =	simm.s32 @!p1 $0x0  }
0x14: {  	s2 =	sld [smem:$0x3F9A];
	s0 =	simm.s32 @p1 $0x1  }
0x15: {  	[smem:$0x3FB7] =	sst s0;
	s0 =	simm.s32 @!p2 $0x0  }
0x16: {  	s3 =	sld [smem:$0x3FDB];
	s0 =	simm.s32 @p2 $0x1  }
0x17: {  	s4 =	simm.s32 $0x1BF5;
	[smem:$0x3FB9] =	sst s0  }
0x18: {  	s0 =	sld [smem:$0x3F9C];
	_ =	swait.ge [sflag:s4], $0x0  }
0x19: {  	s7 =	sld [smem:$0x3F9D]  }
0x1a: {  	s8 =	sadd.s32 $0xFFFFE003, lr  }
0x1b: {  	s9 =	sadd.s32 $0xFFFFFEF7, lr;
	s5 =	simm.s32 $0xFFFFFFFF;
	p2 =	slt.u32 s8, $0xFFFFF086  }
0x1c: {  	p1 =	slt.u32 s9, $0xF7A;
	s5 =	simm.s32 @!p2 $0x0  }
0x1d: {  	s5 =	simm.s32 @p1 $0x1;
	p0 =	seq.s32 s7, s2  }
0x1e: {  	s7 =	smul.u32 @!p0 $0xF7A, s2;
	p2 =	seq.s32 @!p0 s5, $0x0  }
0x1f: {  	s9 =	smul.u32 $0xF7A, s1;
	s8 =	simm.s32 @!p0 $0x1BF5;
	p2 =	por !p2, p0  }
0x20: {  	[sflag:s8] =	ssyncset.s32 @!p0 $0xFFFFF086;
	s6 =	sadd.s32 @!p0 s3, s7;
	s7 =	simm.s32 @!p0 $0x108  }
0x21: {  	s3 =	sadd.s32 s3, s9;
	s6 =	sadd.s32 @!p0 $0x88, s6;
	s7 =	simm.s32 @p2 $0x1082  }
0x22: {  	[simem:s7], [sflag:s8] =	dma.local @!p0 [hbm:s6], $0xF7A  }
0x23: {  	s9 =	sor.u32 $0xD0000000, s2;
	s6 =	simm.s32 $0x108;
	_ =	swait.ge @!p0 [sflag:s8], $0x0  }
0x24: {  	s3 =	sadd.s32 $0x88, s3;
	s6 =	simm.s32 @!p1 $0x1082;
	[sflag:s4] =	ssyncset.s32 $0xFFFFF086  }
0x25: {  	[simem:s6], [sflag:s4] =	dma.local [hbm:s3], $0xF7A  }
0x26: {  	[smem:$0x3F9D] =	sst s1;
	(tag) =	ssettag s2;
	_ =	strace s9  }
0x27: {  	s1 =	sld [smem:$0x3FAD]  }
0x28: {  	s2 =	sld [smem:$0x3FAE]  }
0x29: {  	s4 =	sld [smem:$0x3FB0]  }
0x2a: {  	p0 =	seq.s32 s5, $0x0;
	s5 =	sld [smem:$0x3FB1]  }
0x2b: {  	s6 =	sld [smem:$0x3FB2]  }
0x2c: {  	s7 =	sld [smem:$0x3FB3]  }
0x2d: {  	s3 =	simm.s32 $0x108;
	s8 =	sld [smem:$0x3FB4]  }
0x2e: {  	s3 =	simm.s32 @!p0 $0x1082;
	s9 =	sld [smem:$0x3FB5]  }
0x2f: {  	lr =	sadd.s32 s0, s3;
	s0 =	sld [smem:$0x3FAC]  }
0x30: {  	s3 =	sld [smem:$0x3FAF]  }
0x31: {  	[smem:$0x3FB8] =	sst s10  }
0x32: {  	s10 =	sld [smem:$0x3FB6];
	_ =	sdelay $0x3  }
0x33: {  	p0 =	seq.s32 s10, $0x1;
	s10 =	sld [smem:$0x3FB8];
	_ =	sdelay $0x3  }
0x34: {  	[smem:$0x3FB8] =	sst s10  }
0x35: {  	s10 =	sld [smem:$0x3FB7];
	_ =	sdelay $0x3  }
0x36: {  	p1 =	seq.s32 s10, $0x1;
	s10 =	sld [smem:$0x3FB8];
	_ =	sdelay $0x3  }
0x37: {  	[smem:$0x3FB8] =	sst s10  }
0x38: {  	s10 =	sld [smem:$0x3FB9]  }
0x39: {  	_ = 	snop;
	(pc) =	sbr.ind lr, $3  }
0x3a: {  	_ = 	snop  }
0x3b: {  	_ = 	snop  }
0x3c: {  	p2 =	seq.s32 s10, $0x1;
	s10 =	sld [smem:$0x3FB8]  }
0x3d: {  	_ =	shalt  }
0x3e: {  	_ =	shalt  }
0x3f: {  	_ =	shalt  }
0x40: {  	_ =	shalt  }
0x41: {  	_ =	shalt  }
0x42: {  	_ =	shalt  }
0x43: {  	_ =	shalt  }
0x44: {  	_ =	shalt  }
0x45: {  	_ =	shalt  }
0x46: {  	_ =	shalt  }
0x47: {  	_ =	shalt  }
0x48: {  	_ =	shalt  }
0x49: {  	_ =	shalt  }
0x4a: {  	_ =	shalt  }
0x4b: {  	_ =	shalt  }
0x4c: {  	_ =	shalt  }
0x4d: {  	_ =	shalt  }
0x4e: {  	_ =	shalt  }
0x4f: {  	_ =	shalt  }
0x50: {  	_ =	shalt  }
0x51: {  	_ =	shalt  }
0x52: {  	_ =	shalt  }
0x53: {  	_ =	shalt  }
0x54: {  	_ =	shalt  }
0x55: {  	_ =	shalt  }
0x56: {  	_ =	shalt  }
0x57: {  	_ =	shalt  }
0x58: {  	_ =	shalt  }
0x59: {  	_ =	shalt  }
0x5a: {  	_ =	shalt  }
0x5b: {  	_ =	shalt  }
0x5c: {  	_ =	shalt  }
0x5d: {  	_ =	shalt  }
0x5e: {  	_ =	shalt  }
0x5f: {  	_ =	shalt  }
0x60: {  	_ =	shalt  }
0x61: {  	_ =	shalt  }
0x62: {  	_ =	shalt  }
0x63: {  	_ =	shalt  }
0x64: {  	_ =	shalt  }
0x65: {  	_ =	shalt  }
0x66: {  	_ =	shalt  }
0x67: {  	_ =	shalt  }
0x68: {  	_ =	shalt  }
0x69: {  	_ =	shalt  }
0x6a: {  	_ =	shalt  }
0x6b: {  	_ =	shalt  }
0x6c: {  	_ =	shalt  }
0x6d: {  	_ =	shalt  }
0x6e: {  	_ =	shalt  }
0x6f: {  	_ =	shalt  }
0x70: {  	_ =	shalt  }
0x71: {  	_ =	shalt  }
0x72: {  	_ =	shalt  }
0x73: {  	_ =	shalt  }
0x74: {  	_ =	shalt  }
0x75: {  	_ =	shalt  }
0x76: {  	_ =	shalt  }
0x77: {  	_ =	shalt  }
0x78: {  	_ =	shalt  }
0x79: {  	_ =	shalt  }
0x7a: {  	_ =	shalt  }
0x7b: {  	_ =	shalt  }
0x7c: {  	_ =	shalt  }
0x7d: {  	_ =	shalt  }
0x7e: {  	_ =	shalt  }
0x7f: {  	_ =	shalt  }
0x80: {  	_ =	shalt  }
0x81: {  	_ =	shalt  }
0x82: {  	_ =	shalt  }
0x83: {  	_ =	shalt  }
0x84: {  	_ =	shalt  }
0x85: {  	_ =	shalt  }
0x86: {  	_ =	shalt  }
0x87: {  	_ =	shalt  }
.Lfunc_end0:
.L_simem_size_0:
called_computation_lowered:
.L_overlay_start_0:
0x88: {  	s2 =	sld [smem:$0x3FD9]  }
0x89: {  	s3 =	sld [smem:$0x3FFE];
	_ =	sdelay $0x1  }
0x8a: {  	s1 =	srdreg.scid  }
0x8b: {  	s0 =	sand.u32 $0x1, s1  }
0x8c: {  	s18 =	sshll.u32 s0, $0xA;
	s2 =	sadd.s32 s3, s2  }
0x8d: {  	s2 =	sadd.s32 s2, s18  }
0x8e: {  	[smem:$0x3FC4] =	sst s2  }
0x8f: {  	_ = 	snop  }
0x90: {  	s2 =	sld [smem:$0x3FC7]  }
0x91: {  	s19 =	sld [smem:$0x3FD0];
	(tm) =	ssettm $0x1  }
0x92: {  	s4 =	sld [smem:$0x3FFB];
	_ =	sdelay $0x3  }
0x93: {  	_ =	strace s4  }
0x94: {  	s4 =	sld [smem:$0x3FFC];
	_ =	sdelay $0x3  }
0x95: {  	_ =	strace s4  }
0x96: {  	s4 =	sld [smem:$0x3FFD];
	_ =	sdelay $0x3  }
0x97: {  	_ =	strace s4  }
0x98: {  	_ =	strace $0x8FFFFFFF  }
0x99: {  	s20 =	sld [smem:$0x3FDB];
	_ =	sdelay $0x1  }
0x9a: {  	s5 =	simm.s32 $_scs_section_size  }
0x9b: {  	s6 =	simm.s32 $_size__tile_overlayer_lowered;
	s7 =	simm.s32 $_tile_overlayer_lowered  }
0x9c: {  	s23 =	simm.s32 $0x1BFF;
	s22 =	sshll.u32 s7, $0x1;
	s4 =	sadd.s32 s5, s20  }
0x9d: {  	s8 =	simm.s32 $0x0;
	s21 =	sshll.u32 s6, $0x1;
	s6 =	sadd.s32 s22, s4  }
0x9e: {  	[timem:s8], [sflag:s23] =	dma.local [hbm:s6], s21  }
0x9f: {  	_ =	swait.ge [sflag:s23], s21  }
0xa0: {  	s5 =	ssub.s32 $0x0, s21;
	[sflag:s23] =	ssyncset.done $0x0  }
0xa1: {  	[sflag:s23] =	ssyncadd.s32 s5;
	_ =	sdelay $0x1  }
0xa2: {  	s24 =	simm.s32 $0x1B8B  }
0xa3: {  	_ =	swait.ge [sflag:s24], $0x1  }
0xa4: {  	[sflag:s24] =	ssyncset.done $0x0  }
0xa5: {  	s25 =	simm.s32 $0x1B8E;
	[sflag:s24] =	ssyncadd.s32 $0xFFFFFFFF  }
0xa6: {  	s26 =	simm.s32 $execute0_lowered;
	[smem:$0x3FD2] =	sst s25  }
0xa7: {  	s5 =	sshll.u32 s26, $0x1;
	_ =	strace $0x80000046;
	[dreg:$0x1] =	wrdreg $0xFFFFFFFF  }
0xa8: {  	s28 =	simm.s32 $_size_execute0_lowered;
	s4 =	sadd.s32 s4, s5;
	[dreg:$0x0] =	wrdreg $0x0  }
0xa9: {  	s5 =	sshll.u32 s28, $0x1;
	[dreg:$0x2] =	wrdreg s4  }
0xaa: {  	[dreg:$0x3] =	wrdreg s5  }
0xab: {  	[dreg:$0x4] =	wrdreg $0xC0  }
0xac: {  	_ =	task [dreg:s8], $0x5FFFF  }
0xad: {  	[dreg:$0x1] =	wrdreg $0xFFFFFFFF  }
0xae: {  	[dreg:$0x0] =	wrdreg $0x60  }
0xaf: {  	[dreg:$0x2] =	wrdreg s2  }
0xb0: {  	[dreg:$0x3] =	wrdreg s19  }
0xb1: {  	[dreg:$0x4] =	wrdreg $0x9  }
0xb2: {  	_ =	task.clear_ibuf [dreg:s8], $0x5FFFF;
	_ =	strace $0x90000046  }
0xb3: {  	s29 =	simm.s32 $0x9;
	_ =	strace $0x80000048  }
0xb4: {  	_ =	swait.ge [sflag:s29], $0x1  }
0xb5: {  	[sflag:s29] =	ssyncadd.s32 $0xFFFFFFFF  }
0xb6: {  	_ =	strace $0x90000048  }
0xb7: {  	_ =	sfence  }
0xb8: {  	s30 =	sld [smem:$0x0];
	_ =	sdelay $0x2  }
0xb9: {  	s31 =	sshll.u32 s1, $0xD;
	s1 =	sshrl.u32 s1, $0x2  }
0xba: {  	s3 =	sand.u32 $0x4000, s31;
	s1 =	sadd.s32 s1, s30  }
0xbb: {  	s0 =	sor.u32 s3, s0;
	s1 =	sshll.u32 s1, $0x11  }
0xbc: {  	s0 =	sor.u32 s1, s0  }
0xbd: {  	s0 =	sadd.s32 $0x8F2B, s0  }
0xbe: {  	[sflag:s0] =	ssyncadd.remote.s32 $0x1  }
0xbf: {  	_ =	sfence.sel $0xFFFF  }
0xc0: {  	[dreg:$0x0] =	wrdreg $0xFFFFFFFF;
	(pc) =	sbr.abs _section_cstart, $3  }
0xc1: {  	[dreg:$0x1] =	wrdreg $0xFFFFFFFF  }
0xc2: {  	_ =	task.clear_ibuf [dreg:s8], $0x2FFFF;
	_ =	strace $0x9FFFFFFF  }
0xc3: {  	(tm) =	ssettm $0x7FFFFFFF  }
tec
execute0_lowered:
.L_overlay_start_1:
0x0: {  	(tag) =	ssettag $0x1  }
0x1: {  	s1 =	srdreg.scid;
	s0 =	stileid.u32  }
0x2: {  	s5 =	sand.u32 $0x1, s1;
	s6 =	sshll.u32 s0, $0x1  }
0x3: {  	s6 =	sor.u32 s5, s6  }
0x4: {  	p0 =	sgt.u32 s6, $0x18  }
.Ltmp0:
0x5: {  	_ = 	snop;
	(pc) =	sbr.rel @p0 .LBB2_5-.Ltmp0, $4  }
0x6: {  	s4 =	rddreg [dreg:$0x0]  }
0x7: {  	s3 =	rddreg [dreg:$0x1];
	s2 =	simm.s32 $0x0  }
0x8: {  	[smem:$0x7FF] =	sst s2  }
0x9: {  	s1 =	rddreg [dreg:$0x2];
	_ =	strace $0x80000047  }
0xa: {  	s5 =	ssub.s32 $0x2, s5;
	s6 =	sshll.u32 s6, $0x7  }
0xb: {  	s8 =	simm.s32 $0x0;
	s11 =	simm.s32 $0x0;
	s7 =	sshrl.u32 s5, $0x1  }
0xc: {  	s3 =	sadd.s32 s3, s6;
	s4 =	sadd.s32 s4, s6;
	s5 =	ssub.s32 s5, s7  }
0xd: {  	s6 =	simm.s32 $0x1;
	s7 =	simm.s32 $0x6800;
	s5 =	smax.u32 s5, $0x1  }
.LBB2_2:
0xe: {  	s9 =	simm.s32 $0x0  }
0xf: {  	[tilespmem:s9], [sflag:$0x1] =	stream.linear.gather [hbm4b:s4+s9], $0x6800, $0x38;
	[tilespmem:$0x6C00] =	vst v63  }
0x10: {  	_ =	swait.ge [sflag:s6], $0x6800  }
0x11: {  	[sflag:s6] =	ssyncset.done $0x0  }
0x12: {  	[sflag:s6] =	ssyncadd.s32 $0xFFFF9800  }
0x13: {  	v0 =	vld [tilespmem:s11+$0x70]  }
0x14: {  	v2 =	vld [tilespmem:s11+$0x0]  }
0x15: {  	v4 =	vld [tilespmem:s11+$0x10]  }
0x16: {  	v14 =	vld [tilespmem:s11+$0x20]  }
0x17: {  	v13 =	vld [tilespmem:s11+$0x30]  }
0x18: {  	v1 =	vimm.f32 $0.0e+00;
	v8 =	vimm.f32 $0.0e+00;
	v9 =	vld [tilespmem:s11+$0x40]  }
0x19: {  	v11 =	vimm.f32 $0.0e+00;
	v5 =	vimm.f32 $0.0e+00;
	v10 =	vld [tilespmem:s11+$0x50];
	v3 =	vadd.f32 v0, v1  }
0x1a: {  	s10 =	simm.s32 $0x400;
	s9 =	simm.s32 $0x80;
	v12 =	vld [tilespmem:s11+$0x60];
	v7 =	vadd.f32 v2, v1;
	v6 =	vadd.f32 v4, v1;
	v4 =	vimm.f32 $0.0e+00  }
.LBB2_3:
0x1b: {  	p0 =	sne.s32 s10, $0x18E00;
	v0 =	vld [tilespmem:s9+$0x70];
	v1 =	vadd.f32 v14, v1  }
0x1c: {  	v2 =	vld [tilespmem:s9+$0x0];
	v8 =	vadd.f32 v13, v8  }
0x1d: {  	v15 =	vld [tilespmem:s9+$0x10];
	v11 =	vadd.f32 v9, v11  }
.Ltmp1:
0x1e: {  	v14 =	vld [tilespmem:s9+$0x20];
	v5 =	vadd.f32 v10, v5;
	(pc) =	sbr.rel @p0 .LBB2_3-.Ltmp1, $4  }
0x1f: {  	v13 =	vld [tilespmem:s9+$0x30];
	v4 =	vadd.f32 v12, v4  }
0x20: {  	v9 =	vld [tilespmem:s9+$0x40];
	v3 =	vadd.f32 v0, v3  }
0x21: {  	v7 =	vadd.f32 v2, v7;
	v10 =	vld [tilespmem:s9+$0x50]  }
0x22: {  	v6 =	vadd.f32 v15, v6;
	v12 =	vld [tilespmem:s9+$0x60];
	s9 =	sshra.s32 s10, $0x2;
	s10 =	sadd.s32 $0x200, s10  }
0x23: {  	v15 =	vld [tilespmem:s9+$0x70]  }
0x24: {  	v16 =	vld [tilespmem:s9+$0x0]  }
0x25: {  	v17 =	vld [tilespmem:s9+$0x10]  }
0x26: {  	v18 =	vld [tilespmem:s9+$0x20]  }
0x27: {  	v19 =	vld [tilespmem:s9+$0x30]  }
0x28: {  	v20 =	vld [tilespmem:s9+$0x40]  }
0x29: {  	v21 =	vld [tilespmem:s9+$0x50]  }
0x2a: {  	v22 =	vld [tilespmem:s9+$0x60]  }
0x2b: {  	v23 =	vld [tilespmem:$0x0]  }
0x2c: {  	v24 =	vld [tilespmem:$0x6400]  }
0x2d: {  	v25 =	vld [tilespmem:$0x10]  }
0x2e: {  	v26 =	vld [tilespmem:$0x6410]  }
0x2f: {  	v27 =	vld [tilespmem:$0x20]  }
0x30: {  	v28 =	vld [tilespmem:$0x6420]  }
0x31: {  	v29 =	vld [tilespmem:$0x30]  }
0x32: {  	v30 =	vld [tilespmem:$0x6430]  }
0x33: {  	v31 =	vld [tilespmem:$0x40]  }
0x34: {  	v32 =	vld [tilespmem:$0x6440]  }
0x35: {  	v33 =	vld [tilespmem:$0x50]  }
0x36: {  	v34 =	vld [tilespmem:$0x6450]  }
0x37: {  	v35 =	vld [tilespmem:$0x60]  }
0x38: {  	v36 =	vld [tilespmem:$0x6460]  }
0x39: {  	v37 =	vld [tilespmem:$0x70]  }
0x3a: {  	v38 =	vld [tilespmem:$0x6470]  }
0x3b: {  	v39 =	vld [tilespmem:$0x80]  }
0x3c: {  	v40 =	vld [tilespmem:$0x6480]  }
0x3d: {  	v41 =	vld [tilespmem:$0x90]  }
0x3e: {  	v42 =	vld [tilespmem:$0x6490]  }
0x3f: {  	v43 =	vld [tilespmem:$0xA0]  }
0x40: {  	v44 =	vld [tilespmem:$0x64A0]  }
0x41: {  	v45 =	vld [tilespmem:$0xB0]  }
0x42: {  	v46 =	vld [tilespmem:$0x64B0]  }
0x43: {  	v47 =	vld [tilespmem:$0xC0]  }
0x44: {  	v48 =	vld [tilespmem:$0x64C0]  }
0x45: {  	v49 =	vld [tilespmem:$0xD0]  }
0x46: {  	v50 =	vld [tilespmem:$0x64D0]  }
0x47: {  	v51 =	vld [tilespmem:$0xE0]  }
0x48: {  	v52 =	vld [tilespmem:$0x64E0]  }
0x49: {  	v53 =	vld [tilespmem:$0xF0]  }
0x4a: {  	v54 =	vld [tilespmem:$0x64F0]  }
0x4b: {  	v55 =	vld [tilespmem:$0x100]  }
0x4c: {  	v56 =	vld [tilespmem:$0x6500]  }
0x4d: {  	v57 =	vld [tilespmem:$0x110]  }
0x4e: {  	v58 =	vld [tilespmem:$0x6510]  }
0x4f: {  	v59 =	vld [tilespmem:$0x120]  }
0x50: {  	v60 =	vld [tilespmem:$0x6520]  }
0x51: {  	v61 =	vld [tilespmem:$0x130]  }
0x52: {  	v62 =	vld [tilespmem:$0x6530]  }
0x53: {  	v63 =	vld [tilespmem:$0x140]  }
0x54: {  	v0 =	vld [tilespmem:$0x6540]  }
0x55: {  	v2 =	vld [tilespmem:$0x6550]  }
0x56: {  	v14 =	vadd.f32 v14, v1;
	v1 =	vld [tilespmem:$0x65A0]  }
0x57: {  	v8 =	vadd.f32 v13, v8;
	v13 =	vld [tilespmem:$0x1B0]  }
0x58: {  	v5 =	vadd.f32 v10, v5;
	v10 =	vld [tilespmem:$0x1C0]  }
0x59: {  	v4 =	vadd.f32 v12, v4;
	v12 =	vld [tilespmem:$0x65C0]  }
0x5a: {  	[tilespmem:$0x1FF50] =	vst v0;
	v0 =	vld [tilespmem:$0x150]  }
0x5b: {  	[tilespmem:$0x1FF70] =	vst v2;
	v2 =	vld [tilespmem:$0x160]  }
0x5c: {  	v9 =	vadd.f32 v9, v11;
	v11 =	vadd.f32 v18, v14;
	v14 =	vld [tilespmem:$0x65B0]  }
0x5d: {  	v7 =	vadd.f32 v16, v7;
	v16 =	vld [tilespmem:$0x1D0]  }
0x5e: {  	v6 =	vadd.f32 v17, v6;
	v17 =	vld [tilespmem:$0x65D0]  }
0x5f: {  	v3 =	vadd.f32 v15, v3;
	v15 =	vld [tilespmem:$0x1E0]  }
0x60: {  	v18 =	vld [tilespmem:$0x65E0]  }
0x61: {  	v8 =	vadd.f32 v19, v8;
	v19 =	vld [tilespmem:$0x1F0]  }
0x62: {  	v9 =	vadd.f32 v20, v9;
	v20 =	vld [tilespmem:$0x65F0]  }
0x63: {  	v5 =	vadd.f32 v21, v5;
	v21 =	vld [tilespmem:$0x200]  }
0x64: {  	v4 =	vadd.f32 v22, v4;
	v22 =	vld [tilespmem:$0x6600];
	[tilespmem:$0x6800] =	vst v7  }
0x65: {  	[tilespmem:$0x6810] =	vst v6;
	v7 =	vsub.f32 v7, v23;
	v23 =	vld [tilespmem:$0x210]  }
0x66: {  	[tilespmem:$0x6820] =	vst v11;
	v6 =	vsub.f32 v6, v25;
	v25 =	vld [tilespmem:$0x220]  }
0x67: {  	[tilespmem:$0x6830] =	vst v8;
	v11 =	vsub.f32 v11, v27;
	v27 =	vld [tilespmem:$0x230]  }
0x68: {  	[tilespmem:$0x6840] =	vst v9;
	v9 =	vsub.f32 v9, v31;
	v31 =	vld [tilespmem:$0x250]  }
0x69: {  	[tilespmem:$0x6850] =	vst v5;
	v5 =	vsub.f32 v5, v33;
	v33 =	vld [tilespmem:$0x260]  }
0x6a: {  	[tilespmem:$0x6870] =	vst v3;
	v3 =	vsub.f32 v3, v37;
	v37 =	vld [tilespmem:$0x290]  }
0x6b: {  	v7 =	vadd.f32 v24, v7;
	[tilespmem:$0x1FF60] =	vst v2;
	v2 =	vld [tilespmem:$0x6560]  }
0x6c: {  	[tilespmem:$0x6860] =	vst v4;
	v4 =	vsub.f32 v4, v35;
	v35 =	vld [tilespmem:$0x270];
	v6 =	vadd.f32 v26, v6  }
0x6d: {  	v8 =	vsub.f32 v8, v29;
	v11 =	vadd.f32 v28, v11;
	v24 =	vld [tilespmem:$0x6610];
	[tilespmem:$0x6880] =	vst v7  }
0x6e: {  	v26 =	vld [tilespmem:$0x6620];
	[tilespmem:$0x6890] =	vst v6  }
0x6f: {  	v8 =	vadd.f32 v30, v8;
	v28 =	vld [tilespmem:$0x6630];
	[tilespmem:$0x68A0] =	vst v11  }
0x70: {  	v9 =	vadd.f32 v32, v9;
	[tilespmem:$0x1FF90] =	vst v2;
	v2 =	vld [tilespmem:$0x170]  }
0x71: {  	v5 =	vadd.f32 v34, v5;
	v30 =	vld [tilespmem:$0x6640];
	[tilespmem:$0x68B0] =	vst v8  }
0x72: {  	v3 =	vadd.f32 v38, v3;
	v32 =	vld [tilespmem:$0x6650];
	[tilespmem:$0x68C0] =	vst v9  }
0x73: {  	v34 =	vld [tilespmem:$0x6660];
	v7 =	vsub.f32 v7, v39;
	[tilespmem:$0x68D0] =	vst v5  }
0x74: {  	v38 =	vld [tilespmem:$0x6690];
	v4 =	vadd.f32 v36, v4;
	v6 =	vsub.f32 v6, v41;
	[tilespmem:$0x68F0] =	vst v3  }
0x75: {  	v11 =	vsub.f32 v11, v43;
	v7 =	vadd.f32 v40, v7;
	[tilespmem:$0x1FF80] =	vst v2;
	v2 =	vld [tilespmem:$0x6570]  }
0x76: {  	v36 =	vld [tilespmem:$0x6670];
	[tilespmem:$0x68E0] =	vst v4;
	v6 =	vadd.f32 v42, v6  }
0x77: {  	v8 =	vsub.f32 v8, v45;
	v45 =	vld [tilespmem:$0x1FF50];
	v11 =	vadd.f32 v44, v11;
	[tilespmem:$0x6900] =	vst v7  }
0x78: {  	v9 =	vsub.f32 v9, v47;
	v5 =	vsub.f32 v5, v49;
	v47 =	vld [tilespmem:$0x1FF70];
	[tilespmem:$0x6910] =	vst v6  }
0x79: {  	v3 =	vsub.f32 v3, v53;
	v53 =	vld [tilespmem:$0x2A0];
	v8 =	vadd.f32 v46, v8;
	[tilespmem:$0x6920] =	vst v11  }
0x7a: {  	v9 =	vadd.f32 v48, v9;
	[tilespmem:$0x1FFB0] =	vst v2;
	v2 =	vld [tilespmem:$0x180]  }
0x7b: {  	v41 =	vld [tilespmem:$0x2E0];
	v5 =	vadd.f32 v50, v5;
	[tilespmem:$0x6930] =	vst v8  }
0x7c: {  	v43 =	vld [tilespmem:$0x2F0];
	v4 =	vsub.f32 v4, v51;
	v3 =	vadd.f32 v54, v3;
	[tilespmem:$0x6940] =	vst v9  }
0x7d: {  	v44 =	vld [tilespmem:$0x240];
	v7 =	vsub.f32 v7, v55;
	[tilespmem:$0x6950] =	vst v5  }
0x7e: {  	v46 =	vld [tilespmem:$0x1FF60];
	v4 =	vadd.f32 v52, v4;
	v6 =	vsub.f32 v6, v57;
	[tilespmem:$0x6970] =	vst v3  }
0x7f: {  	v8 =	vsub.f32 v8, v61;
	v7 =	vadd.f32 v56, v7;
	[tilespmem:$0x1FFA0] =	vst v2;
	v2 =	vld [tilespmem:$0x6580]  }
0x80: {  	v42 =	vld [tilespmem:$0x66E0];
	v11 =	vsub.f32 v11, v59;
	[tilespmem:$0x6960] =	vst v4;
	v6 =	vadd.f32 v58, v6  }
0x81: {  	v0 =	vsub.f32 v5, v0;
	v5 =	vld [tilespmem:$0x280];
	v8 =	vadd.f32 v62, v8;
	[tilespmem:$0x6980] =	vst v7  }
0x82: {  	v9 =	vsub.f32 v9, v63;
	v59 =	vld [tilespmem:$0x66B0];
	[tilespmem:$0x6990] =	vst v6  }
0x83: {  	v11 =	vadd.f32 v60, v11;
	[tilespmem:$0x69B0] =	vst v8;
	v48 =	vld [tilespmem:$0x1FF80]  }
0x84: {  	v9 =	vadd.f32 v45, v9;
	v8 =	vsub.f32 v8, v13;
	[tilespmem:$0x1FFD0] =	vst v2;
	v2 =	vld [tilespmem:$0x190]  }
0x85: {  	v61 =	vld [tilespmem:$0x66C0];
	v0 =	vadd.f32 v47, v0;
	[tilespmem:$0x69A0] =	vst v11  }
0x86: {  	[tilespmem:$0x69C0] =	vst v9;
	v9 =	vsub.f32 v9, v10;
	v8 =	vadd.f32 v14, v8;
	v51 =	vld [tilespmem:$0x1FFB0]  }
0x87: {  	v63 =	vld [tilespmem:$0x66D0];
	[tilespmem:$0x69D0] =	vst v0;
	v0 =	vsub.f32 v0, v16  }
0x88: {  	v58 =	vld [tilespmem:$0x2B0];
	v9 =	vadd.f32 v12, v9;
	[tilespmem:$0x6A30] =	vst v8;
	v8 =	vsub.f32 v8, v27  }
0x89: {  	v0 =	vadd.f32 v17, v0;
	v3 =	vsub.f32 v3, v48;
	[tilespmem:$0x1FFC0] =	vst v2;
	v2 =	vld [tilespmem:$0x6590]  }
0x8a: {  	v49 =	vld [tilespmem:$0x1FF90];
	[tilespmem:$0x6A40] =	vst v9;
	v8 =	vadd.f32 v28, v8  }
0x8b: {  	v60 =	vld [tilespmem:$0x2C0];
	[tilespmem:$0x6A50] =	vst v0;
	v9 =	vsub.f32 v9, v44;
	v3 =	vadd.f32 v51, v3  }
0x8c: {  	v62 =	vld [tilespmem:$0x2D0];
	v0 =	vsub.f32 v0, v31;
	[tilespmem:$0x6AB0] =	vst v8  }
0x8d: {  	v9 =	vadd.f32 v30, v9;
	v50 =	vld [tilespmem:$0x1FFA0];
	[tilespmem:$0x69F0] =	vst v3;
	v3 =	vsub.f32 v3, v19  }
0x8e: {  	v0 =	vadd.f32 v32, v0;
	v8 =	vsub.f32 v8, v58;
	[tilespmem:$0x1FFF0] =	vst v2;
	v2 =	vld [tilespmem:$0x1A0]  }
0x8f: {  	[tilespmem:$0x6AC0] =	vst v9;
	v3 =	vadd.f32 v20, v3;
	v54 =	vld [tilespmem:$0x1FFD0]  }
0x90: {  	[tilespmem:$0x6AD0] =	vst v0;
	v9 =	vsub.f32 v9, v60;
	v8 =	vadd.f32 v59, v8;
	v51 =	vld [tilespmem:$0x330]  }
0x91: {  	v44 =	vld [tilespmem:$0x66F0];
	v0 =	vsub.f32 v0, v62;
	[tilespmem:$0x6A70] =	vst v3;
	v3 =	vsub.f32 v3, v35  }
0x92: {  	v9 =	vadd.f32 v61, v9;
	[tilespmem:$0x6B30] =	vst v8;
	v7 =	vsub.f32 v7, v50;
	v52 =	vld [tilespmem:$0x1FFC0]  }
0x93: {  	v0 =	vadd.f32 v63, v0;
	v3 =	vadd.f32 v36, v3;
	v57 =	vld [tilespmem:$0x1FFF0];
	[tilespmem:$0x1FFE0] =	vst v2  }
0x94: {  	[tilespmem:$0x6B40] =	vst v9;
	v7 =	vadd.f32 v54, v7;
	v2 =	vsub.f32 v4, v46;
	v55 =	vld [tilespmem:$0x1FFE0]  }
0x95: {  	v56 =	vld [tilespmem:$0x66A0];
	v59 =	vsub.f32 v8, v51;
	[tilespmem:$0x6AF0] =	vst v3;
	v3 =	vsub.f32 v3, v43  }
0x96: {  	v45 =	vld [tilespmem:$0x300];
	[tilespmem:$0x6A00] =	vst v7;
	v7 =	vsub.f32 v7, v21;
	v2 =	vadd.f32 v49, v2  }
0x97: {  	[tilespmem:$0x6B50] =	vst v0;
	v3 =	vadd.f32 v44, v3;
	v6 =	vsub.f32 v6, v52;
	v52 =	vld [tilespmem:$0x6730]  }
0x98: {  	v47 =	vld [tilespmem:$0x310];
	v7 =	vadd.f32 v22, v7;
	[tilespmem:$0x69E0] =	vst v2;
	v2 =	vsub.f32 v2, v15  }
0x99: {  	v48 =	vld [tilespmem:$0x6710];
	[tilespmem:$0x6B70] =	vst v3;
	v6 =	vadd.f32 v57, v6;
	v11 =	vsub.f32 v11, v55  }
0x9a: {  	v58 =	vld [tilespmem:$0x370];
	[tilespmem:$0x6A80] =	vst v7;
	v5 =	vsub.f32 v7, v5;
	v2 =	vadd.f32 v18, v2  }
0x9b: {  	v4 =	vld [tilespmem:$0x6680];
	[tilespmem:$0x6A10] =	vst v6;
	v6 =	vsub.f32 v6, v23;
	v1 =	vadd.f32 v1, v11  }
0x9c: {  	v60 =	vld [tilespmem:$0x6760];
	v7 =	vadd.f32 v52, v59;
	[tilespmem:$0x6A60] =	vst v2;
	v2 =	vsub.f32 v2, v33  }
0x9d: {  	v50 =	vld [tilespmem:$0x6720];
	v6 =	vadd.f32 v24, v6;
	[tilespmem:$0x6A20] =	vst v1;
	v1 =	vsub.f32 v1, v25  }
0x9e: {  	v46 =	vld [tilespmem:$0x6700];
	[tilespmem:$0x6BB0] =	vst v7;
	v2 =	vadd.f32 v34, v2  }
0x9f: {  	v57 =	vld [tilespmem:$0x360];
	[tilespmem:$0x6A90] =	vst v6;
	v6 =	vsub.f32 v6, v37;
	v1 =	vadd.f32 v26, v1  }
0xa0: {  	v49 =	vld [tilespmem:$0x320];
	v4 =	vadd.f32 v4, v5;
	[tilespmem:$0x6AE0] =	vst v2;
	v2 =	vsub.f32 v2, v41  }
0xa1: {  	v6 =	vadd.f32 v38, v6;
	[tilespmem:$0x6AA0] =	vst v1;
	v1 =	vsub.f32 v1, v53;
	v53 =	vld [tilespmem:$0x340]  }
0xa2: {  	v55 =	vld [tilespmem:$0x350];
	[tilespmem:$0x6B00] =	vst v4;
	v4 =	vsub.f32 v4, v45;
	v2 =	vadd.f32 v42, v2  }
0xa3: {  	v54 =	vld [tilespmem:$0x6740];
	[tilespmem:$0x6B10] =	vst v6;
	v6 =	vsub.f32 v6, v47;
	v1 =	vadd.f32 v56, v1  }
0xa4: {  	v4 =	vadd.f32 v46, v4;
	v56 =	vld [tilespmem:$0x6750];
	[tilespmem:$0x6B60] =	vst v2;
	v2 =	vsub.f32 v2, v57  }
0xa5: {  	v62 =	vld [tilespmem:$0x6770];
	v6 =	vadd.f32 v48, v6;
	[tilespmem:$0x6B20] =	vst v1;
	v1 =	vsub.f32 v1, v49  }
0xa6: {  	[tilespmem:$0x6B80] =	vst v4;
	v2 =	vadd.f32 v60, v2;
	v61 =	vsub.f32 v9, v53  }
0xa7: {  	v0 =	vsub.f32 v0, v55;
	[tilespmem:$0x6B90] =	vst v6;
	v1 =	vadd.f32 v50, v1  }
0xa8: {  	v63 =	vsub.f32 v3, v58;
	[tilespmem:$0x6BE0] =	vst v2;
	v5 =	vadd.f32 v54, v61  }
0xa9: {  	v0 =	vadd.f32 v56, v0;
	[tilespmem:$0x6BA0] =	vst v1  }
0xaa: {  	s8 =	sadd.s32 $0x1, s8;
	v1 =	vadd.f32 v62, v63;
	[tilespmem:$0x6BC0] =	vst v5  }
0xab: {  	p0 =	sne.s32 s8, s5;
	[tilespmem:$0x6BD0] =	vst v0  }
.Ltmp2:
0xac: {  	[tilespmem:$0x6BF0] =	vst v1;
	(pc) =	sbr.rel @p0 .LBB2_2-.Ltmp2, $4  }
0xad: {  	[hbm4b:s3+s2] =	stream.linear.scatter [tilespmem:s7], [sflag:$0x1], $0x400, $0x38;
	[tilespmem:$0x6C00] =	vst v63  }
0xae: {  	_ =	swait.ge [sflag:s6], $0x400  }
0xaf: {  	[sflag:s6] =	ssyncset.done $0x0  }
0xb0: {  	[sflag:s6] =	ssyncadd.s32 $0xFFFFFC00  }
.LBB2_5:
0xb1: {  	_ =	sfence.sel $0x180000  }
0xb2: {  	[bflag:$0x0] =	sbarrier.arrive $0xFFFF  }
0xb3: {  	p0 =	sne.s32 s0, $0x0;
	_ =	strace $0x90000047  }
0xb4: {  	s0 =	sadd.s32 @!p0 $0x100000, s1;
	[bflag:$0x2] =	sbarrier.arrive $0xFFFF  }
0xb5: {  	[sflag:s0] =	ssyncadd.tile.s32 @!p0 $0x1;
	_ =	shalt  }
.Lfunc_end2:
_tile_overlayer_lowered:
.L_overlay_start_2:
0xb6: {  	(tag) =	ssettag $0x2  }
0xb7: {  	s0 =	rddreg [dreg:$0x0];
	s2 =	stileid.u32  }
0xb8: {  	s1 =	rddreg [dreg:$0x1];
	p0 =	sne.s32 s2, $0x0  }
0xb9: {  	s3 =	rddreg [dreg:$0x2];
	[bflag:$0x3] =	sbarrier.arrive $0xFFFF;
	s2 =	simm.s32 @!p0 $0x1C01  }
0xba: {  	[timem:s3], [sflag:s2] =	dma.local @!p0 [hbm:s0], s1  }
0xbb: {  	s0 =	simm.s32 @!p0 $0x1  }
0xbc: {  	_ =	swait.ge @!p0 [sflag:s0], s1  }
0xbd: {  	s1 =	ssub.s32 @!p0 $0x0, s1;
	[sflag:s0] =	ssyncset.done @!p0 $0x0  }
0xbe: {  	[sflag:s0] =	ssyncadd.s32 @!p0 s1  }
0xbf: {  	[bflag:$0x3] =	sbarrier.arrive $0xFFFF  }
0xc0: {  	_ =	shalt  }

</sc_bundles>
